<compile_context>
chip_gen: v7x
topology: tpu7x:2x2x1
jax: 0.10.2.dev20260603
libtpu: 0.0.44.dev20260713+nightly
codegen_flags: <defaults>
</compile_context>

<pallas_src>
import functools

import jax
import jax.numpy as jnp
from jax import lax
from jax.experimental import pallas as pl
from jax.experimental.pallas import tpu as pltpu
from jax.experimental.pallas import tpu_sc as plsc

NF = 26
B = 4096
V = 100000
D = 64
NW = 32
CHUNK = B // NW
BB = 256
GRID = B // BB


def _sc_gather(tab, idx):
    mesh = plsc.VectorSubcoreMesh(core_axis_name="c", subcore_axis_name="s")

    @functools.partial(
        pl.kernel,
        mesh=mesh,
        out_type=jax.ShapeDtypeStruct((NF, B, 2 * D), jnp.float32),
        scratch_types=[
            pltpu.VMEM((NF, CHUNK), jnp.int32),
            pltpu.VMEM((CHUNK, D), jnp.float32),
            pltpu.VMEM((CHUNK, D), jnp.float32),
            pltpu.SemaphoreType.DMA,
            pltpu.SemaphoreType.DMA,
        ],
        compiler_params=pltpu.CompilerParams(use_tc_tiling_on_sc=False),
    )
    def k(tab_hbm, idx_hbm, out_hbm, idx_v, rows0, rows1, sem0, sem1):
        wid = lax.axis_index("s") * 2 + lax.axis_index("c")
        base = wid * CHUNK
        pltpu.sync_copy(idx_hbm.at[:, pl.ds(base, CHUNK)], idx_v)

        def step(t, _):
            u0 = 2 * t
            u1 = 2 * t + 1
            g0 = pltpu.async_copy(tab_hbm.at[u0].at[idx_v.at[u0]], rows0, sem0)
            g1 = pltpu.async_copy(tab_hbm.at[u1].at[idx_v.at[u1]], rows1, sem1)
            g0.wait()
            pltpu.sync_copy(rows0, out_hbm.at[u0, pl.ds(base, CHUNK), pl.ds(0, D)])
            g1.wait()
            pltpu.sync_copy(rows1, out_hbm.at[u1, pl.ds(base, CHUNK), pl.ds(0, D)])
            return _
        lax.fori_loop(0, NF // 2, step, 0)

    return k(tab, idx)


def _dense_body(dx_ref, ly_ref, bw0, bb0, bw1, bb1, bw2, bb2,
                w0a, *rest):
    wbs = rest[:NF]
    tb0, tw1, tb1, tw2, tb2, out_ref = rest[NF:]

    f32 = jnp.float32
    x = dx_ref[...]
    x = jnp.maximum(jnp.dot(x, bw0[...], preferred_element_type=f32) + bb0[...], 0.0)
    x = jnp.maximum(jnp.dot(x, bw1[...], preferred_element_type=f32) + bb1[...], 0.0)
    x = jnp.maximum(jnp.dot(x, bw2[...], preferred_element_type=f32) + bb2[...], 0.0)

    ly = ly_ref[:, :, 0:D]
    t3 = jnp.concatenate([x[None], ly], axis=0).astype(jnp.bfloat16)

    acc = lax.dot_general(w0a[...], x, (((1,), (1,)), ((), ())),
                          preferred_element_type=f32)
    acc = acc + tb0[...]
    for i in range(1, 27):
        p = jnp.sum(t3[i] * t3[:i], axis=-1)
        acc = acc + lax.dot_general(wbs[i - 1][...], p,
                                    (((1,), (0,)), ((), ())),
                                    preferred_element_type=f32)
    h = jnp.maximum(acc, 0.0)
    h = jnp.maximum(jnp.dot(tw1[...], h, preferred_element_type=f32) + tb1[...], 0.0)
    h = jnp.dot(tw2[...], h, preferred_element_type=f32) + tb2[...]
    out_ref[...] = 1.0 / (1.0 + jnp.exp(-h))


def _dense(dense_x, ly, bw0t, bb0, bw1t, bb1, bw2t, bb2,
           w0a, wbs, tb0, tw1, tb1, tw2, tb2):
    full = lambda s: pl.BlockSpec(s, lambda i: (0,) * len(s))
    in_specs = [
        pl.BlockSpec((BB, 13), lambda i: (i, 0)),
        pl.BlockSpec((NF, BB, 2 * D), lambda i: (0, i, 0)),
        full((13, 512)), full((1, 512)),
        full((512, 256)), full((1, 256)),
        full((256, 64)), full((1, 64)),
        full((512, 64)),
    ]
    in_specs += [full((512, i)) for i in range(1, 27)]
    in_specs += [full((512, 1)), full((256, 512)), full((256, 1)),
                 full((1, 256)), full((1, 1))]
    out = pl.pallas_call(
        _dense_body,
        grid=(GRID,),
        in_specs=in_specs,
        out_specs=pl.BlockSpec((1, BB), lambda i: (0, i)),
        out_shape=jax.ShapeDtypeStruct((1, B), jnp.float32),
        compiler_params=pltpu.CompilerParams(
            dimension_semantics=("arbitrary",)),
    )(dense_x, ly, bw0t, bb0, bw1t, bb1, bw2t, bb2, w0a, *wbs,
      tb0, tw1, tb1, tw2, tb2)
    return out


def kernel(dense_x, lS_i, emb_tables,
           bot_w0, bot_b0, bot_w1, bot_b1, bot_w2, bot_b2,
           top_w0, top_b0, top_w1, top_b1, top_w2, top_b2):
    idx = lS_i.astype(jnp.int32)
    ly = _sc_gather(emb_tables, idx)

    bw0t, bw1t, bw2t = bot_w0.T, bot_w1.T, bot_w2.T
    bb0, bb1, bb2 = (bot_b0.reshape(1, -1), bot_b1.reshape(1, -1),
                     bot_b2.reshape(1, -1))
    w0a = top_w0[:, :D]
    offs = [i * (i - 1) // 2 for i in range(27)]
    wbs = [top_w0[:, D + offs[i]: D + offs[i] + i].astype(jnp.bfloat16)
           for i in range(1, 27)]
    tb0 = top_b0.reshape(-1, 1)
    tb1 = top_b1.reshape(-1, 1)
    tb2 = top_b2.reshape(-1, 1)

    out = _dense(dense_x, ly, bw0t, bb0, bw1t, bb1, bw2t, bb2,
                 w0a, wbs, tb0, top_w1, tb1, top_w2, tb2)
    return out.reshape(B, 1)

# --- scband reference (transcript-rebuilt; emitter-appended) ---
"""Pipeline reference for scband-dlrm-net-13649406066733 (READ-ONLY COPY).

The authoritative reference and input builder live on the scoring server;
editing this copy changes nothing except your own understanding.
"""

import jax, jax.numpy as jnp
import numpy as np

NF = 26
B = 4096
V = 100000
D = 64
LN_BOT = [13, 512, 256, 64]
LN_TOP = [415, 512, 256, 1]


def setup_inputs(seed: int = 0) -> dict:
    key = jax.random.key(seed)
    inp = {}
    inp["dense_x"] = jax.random.normal(jax.random.fold_in(key, 0), (B, LN_BOT[0]), dtype=jnp.float32)
    inp["lS_i"] = jax.random.randint(jax.random.fold_in(key, 1), (NF, B), 0, V)
    lim = 1.0 / np.sqrt(V)
    inp["emb_tables"] = jax.random.uniform(jax.random.fold_in(key, 2), (NF, V, D), minval=-lim, maxval=lim, dtype=jnp.float32)
    c = 10
    for i in range(len(LN_BOT) - 1):
        n, m = LN_BOT[i], LN_BOT[i + 1]
        inp["bot_w%d" % i] = jax.random.normal(jax.random.fold_in(key, c), (m, n), dtype=jnp.float32) * np.sqrt(2.0 / (m + n)); c += 1
        inp["bot_b%d" % i] = jax.random.normal(jax.random.fold_in(key, c), (m,), dtype=jnp.float32) * np.sqrt(1.0 / m); c += 1
    for i in range(len(LN_TOP) - 1):
        n, m = LN_TOP[i], LN_TOP[i + 1]
        inp["top_w%d" % i] = jax.random.normal(jax.random.fold_in(key, c), (m, n), dtype=jnp.float32) * np.sqrt(2.0 / (m + n)); c += 1
        inp["top_b%d" % i] = jax.random.normal(jax.random.fold_in(key, c), (m,), dtype=jnp.float32) * np.sqrt(1.0 / m); c += 1
    return inp


def _mlp(x, ws, bs, sigmoid_layer):
    for i in range(len(ws)):
        x = x @ ws[i].T + bs[i]
        if i == sigmoid_layer:
            x = jax.nn.sigmoid(x)
        else:
            x = jax.nn.relu(x)
    return x


def reference(dense_x, lS_i, emb_tables,
              bot_w0, bot_b0, bot_w1, bot_b1, bot_w2, bot_b2,
              top_w0, top_b0, top_w1, top_b1, top_w2, top_b2):
    # bottom MLP (all ReLU, sigmoid_bot=-1)
    x = _mlp(dense_x, [bot_w0, bot_w1, bot_w2], [bot_b0, bot_b1, bot_b2], -1)
    # embedding lookups: EmbeddingBag mode='sum' with pooling factor 1
    # (offsets = arange(B)), i.e. a pure row gather per table.
    ly = jax.vmap(lambda t, idx: jnp.take(t, idx, axis=0))(emb_tables, lS_i)  # [NF, B, D]
    # dot interaction
    T = jnp.concatenate([x[:, None, :], jnp.transpose(ly, (1, 0, 2))], axis=1)  # [B, 27, D]
    Z = jnp.einsum('bnd,bmd->bnm', T, T)
    ni = T.shape[1]
    li = np.array([i for i in range(ni) for j in range(i)])
    lj = np.array([j for i in range(ni) for j in range(i)])
    Zflat = Z[:, li, lj]
    R = jnp.concatenate([x, Zflat], axis=1)  # [B, 415]
    # top MLP (ReLU, ReLU, Sigmoid since sigmoid_top=2)
    p = _mlp(R, [top_w0, top_w1, top_w2], [top_b0, top_b1, top_b2], 2)
    return p

if __name__ == "__main__":
    import jax
    _d = setup_inputs()
    print(jax.jit(kernel)(*tuple(_d.values())))

</pallas_src>

<mosaic_0001>
#map = affine_map<(d0, d1) -> (0, 0, 0)>
#map1 = affine_map<(d0, d1) -> (0, 0)>
module attributes {stable_mosaic.version = 14 : i64} {
  func.func @k(%arg0: i32, %arg1: i32, %arg2: memref<26x100000x64xf32, #tpu.memory_space<hbm>>, %arg3: memref<26x4096xi32, #tpu.memory_space<hbm>>, %arg4: memref<26x4096x128xf32, #tpu.memory_space<hbm>>, %arg5: memref<26x128xi32, #tpu.memory_space<vmem>>, %arg6: memref<128x64xf32, #tpu.memory_space<vmem>>, %arg7: memref<128x64xf32, #tpu.memory_space<vmem>>, %arg8: memref<!tpu.dma_semaphore, #tpu.memory_space<semaphore_mem>>, %arg9: memref<!tpu.dma_semaphore, #tpu.memory_space<semaphore_mem>>) attributes {dimension_semantics = [#tpu.dimension_semantics<core_parallel>, #tpu.dimension_semantics<subcore_parallel>], iteration_bounds = array<i64: 2, 16>, scalar_prefetch = 0 : i64, scratch_operands = 5 : i64, tpu.core_type = #tpu.core_type<sc_vector_subcore>, window_params = [{transform_indices = #map}, {transform_indices = #map1}, {transform_indices = #map}]} {
    %mul3A = arith.constant 2 : i32
    %mul3A_0 = arith.muli %arg1, %mul3A : i32
    %add3A = arith.addi %mul3A_0, %arg0 : i32
    %mul3A_1 = arith.constant 128 : i32
    %mul3A_2 = arith.muli %add3A, %mul3A_1 : i32
    "tpu.region"() ({
      %run_scoped3A = tpu.sem_alloc : memref<!tpu.dma_semaphore, #tpu.memory_space<semaphore_mem>>
      %dma_start3A = arith.constant 0 : i32
      %dma_start3A_8 = tpu.memref_slice %arg3[%dma_start3A, %mul3A_2] : memref<26x4096xi32, #tpu.memory_space<hbm>> -> memref<26x128xi32, #tpu.memory_space<hbm>>
      %dma_start3A_9 = arith.constant 0 : i32
      %dma_start3A_10 = tpu.memref_slice %arg3[%dma_start3A_9, %mul3A_2] : memref<26x4096xi32, #tpu.memory_space<hbm>> -> memref<26x128xi32, #tpu.memory_space<hbm>>
      tpu.enqueue_dma source(%dma_start3A_10 : memref<26x128xi32, #tpu.memory_space<hbm>>) target(%arg5 : memref<26x128xi32, #tpu.memory_space<vmem>>) target_semaphore(%run_scoped3A : memref<!tpu.dma_semaphore, #tpu.memory_space<semaphore_mem>>)
      %dma_wait3A = arith.constant 0 : i32
      %dma_wait3A_11 = tpu.memref_slice %arg3[%dma_wait3A, %mul3A_2] : memref<26x4096xi32, #tpu.memory_space<hbm>> -> memref<26x128xi32, #tpu.memory_space<hbm>>
      %dma_wait3A_12 = arith.constant 0 : i32
      %dma_wait3A_13 = tpu.memref_slice %arg3[%dma_wait3A_12, %mul3A_2] : memref<26x4096xi32, #tpu.memory_space<hbm>> -> memref<26x128xi32, #tpu.memory_space<hbm>>
      tpu.wait_dma2 semaphore(%run_scoped3A : memref<!tpu.dma_semaphore, #tpu.memory_space<semaphore_mem>>) src(%dma_wait3A_13 : memref<26x128xi32, #tpu.memory_space<hbm>>) dst(%arg5 : memref<26x128xi32, #tpu.memory_space<vmem>>)
      tpu.yield
    }) : () -> ()
    %scan3A = arith.constant 0 : i32
    %scan3A_3 = arith.constant 0 : i32
    %scan3A_4 = arith.constant 13 : i32
    %scan3A_5 = arith.addi %scan3A_3, %scan3A_4 : i32
    %scan3A_6 = arith.constant 1 : i32
    scf.for %scan3A_8 = %scan3A_3 to %scan3A_5 step %scan3A_6  : i32 {
      %mul3A_9 = arith.constant 2 : i32
      %mul3A_10 = arith.muli %mul3A_9, %scan3A_8 : i32
      %mul3A_11 = arith.constant 2 : i32
      %mul3A_12 = arith.muli %mul3A_11, %scan3A_8 : i32
      %add3A_13 = arith.constant 1 : i32
      %add3A_14 = arith.addi %mul3A_12, %add3A_13 : i32
      %dma_start3A = arith.constant 0 : i32
      %dma_start3A_15 = tpu.memref_slice %arg5[%mul3A_10, %dma_start3A] : memref<26x128xi32, #tpu.memory_space<vmem>> -> memref<1x128xi32, #tpu.memory_space<vmem>>
      %dma_start3A_16 = tpu.memref_squeeze %dma_start3A_15 : memref<1x128xi32, #tpu.memory_space<vmem>> -> memref<128xi32, #tpu.memory_space<vmem>>
      %dma_start3A_17 = arith.constant 0 : i32
      %dma_start3A_18 = arith.constant 0 : i32
      %dma_start3A_19 = tpu.memref_slice %arg2[%mul3A_10, %dma_start3A_17, %dma_start3A_18] : memref<26x100000x64xf32, #tpu.memory_space<hbm>> -> memref<1x100000x64xf32, #tpu.memory_space<hbm>>
      %dma_start3A_20 = tpu.memref_squeeze %dma_start3A_19 : memref<1x100000x64xf32, #tpu.memory_space<hbm>> -> memref<100000x64xf32, #tpu.memory_space<hbm>>
      %dma_start3A_21 = arith.constant 0 : i32
      %dma_start3A_22 = arith.constant 0 : i32
      %dma_start3A_23 = tpu.memref_slice %dma_start3A_20[%dma_start3A_21, %dma_start3A_22] : memref<100000x64xf32, #tpu.memory_space<hbm>> -> memref<100000x64xf32, #tpu.memory_space<hbm>>
      tpu.enqueue_indirect_dma source(%dma_start3A_23 : memref<100000x64xf32, #tpu.memory_space<hbm>>) target(%arg6 : memref<128x64xf32, #tpu.memory_space<vmem>>) offsets(%dma_start3A_16 : memref<128xi32, #tpu.memory_space<vmem>>) semaphore(%arg8 : memref<!tpu.dma_semaphore, #tpu.memory_space<semaphore_mem>>)
      %dma_start3A_24 = arith.constant 0 : i32
      %dma_start3A_25 = tpu.memref_slice %arg5[%add3A_14, %dma_start3A_24] : memref<26x128xi32, #tpu.memory_space<vmem>> -> memref<1x128xi32, #tpu.memory_space<vmem>>
      %dma_start3A_26 = tpu.memref_squeeze %dma_start3A_25 : memref<1x128xi32, #tpu.memory_space<vmem>> -> memref<128xi32, #tpu.memory_space<vmem>>
      %dma_start3A_27 = arith.constant 0 : i32
      %dma_start3A_28 = arith.constant 0 : i32
      %dma_start3A_29 = tpu.memref_slice %arg2[%add3A_14, %dma_start3A_27, %dma_start3A_28] : memref<26x100000x64xf32, #tpu.memory_space<hbm>> -> memref<1x100000x64xf32, #tpu.memory_space<hbm>>
      %dma_start3A_30 = tpu.memref_squeeze %dma_start3A_29 : memref<1x100000x64xf32, #tpu.memory_space<hbm>> -> memref<100000x64xf32, #tpu.memory_space<hbm>>
      %dma_start3A_31 = arith.constant 0 : i32
      %dma_start3A_32 = arith.constant 0 : i32
      %dma_start3A_33 = tpu.memref_slice %dma_start3A_30[%dma_start3A_31, %dma_start3A_32] : memref<100000x64xf32, #tpu.memory_space<hbm>> -> memref<100000x64xf32, #tpu.memory_space<hbm>>
      tpu.enqueue_indirect_dma source(%dma_start3A_33 : memref<100000x64xf32, #tpu.memory_space<hbm>>) target(%arg7 : memref<128x64xf32, #tpu.memory_space<vmem>>) offsets(%dma_start3A_26 : memref<128xi32, #tpu.memory_space<vmem>>) semaphore(%arg9 : memref<!tpu.dma_semaphore, #tpu.memory_space<semaphore_mem>>)
      %dma_wait3A = arith.constant 0 : i32
      %dma_wait3A_34 = tpu.memref_slice %arg5[%mul3A_10, %dma_wait3A] : memref<26x128xi32, #tpu.memory_space<vmem>> -> memref<1x128xi32, #tpu.memory_space<vmem>>
      %dma_wait3A_35 = tpu.memref_squeeze %dma_wait3A_34 : memref<1x128xi32, #tpu.memory_space<vmem>> -> memref<128xi32, #tpu.memory_space<vmem>>
      %dma_wait3A_36 = arith.constant 0 : i32
      %dma_wait3A_37 = arith.constant 0 : i32
      %dma_wait3A_38 = tpu.memref_slice %arg2[%mul3A_10, %dma_wait3A_36, %dma_wait3A_37] : memref<26x100000x64xf32, #tpu.memory_space<hbm>> -> memref<1x100000x64xf32, #tpu.memory_space<hbm>>
      %dma_wait3A_39 = tpu.memref_squeeze %dma_wait3A_38 : memref<1x100000x64xf32, #tpu.memory_space<hbm>> -> memref<100000x64xf32, #tpu.memory_space<hbm>>
      %dma_wait3A_40 = arith.constant 0 : i32
      %dma_wait3A_41 = arith.constant 0 : i32
      %dma_wait3A_42 = tpu.memref_slice %dma_wait3A_39[%dma_wait3A_40, %dma_wait3A_41] : memref<100000x64xf32, #tpu.memory_space<hbm>> -> memref<100000x64xf32, #tpu.memory_space<hbm>>
      tpu.wait_indirect_dma semaphore(%arg8 : memref<!tpu.dma_semaphore, #tpu.memory_space<semaphore_mem>>) src(%dma_wait3A_42 : memref<100000x64xf32, #tpu.memory_space<hbm>>) dst(%arg6 : memref<128x64xf32, #tpu.memory_space<vmem>>)
      "tpu.region"() ({
        %run_scoped3A = tpu.sem_alloc : memref<!tpu.dma_semaphore, #tpu.memory_space<semaphore_mem>>
        %dma_start3A_53 = arith.constant 0 : i32
        %dma_start3A_54 = tpu.memref_slice %arg4[%mul3A_10, %mul3A_2, %dma_start3A_53] : memref<26x4096x128xf32, #tpu.memory_space<hbm>> -> memref<1x128x64xf32, #tpu.memory_space<hbm>>
        %dma_start3A_55 = tpu.memref_squeeze %dma_start3A_54 : memref<1x128x64xf32, #tpu.memory_space<hbm>> -> memref<128x64xf32, #tpu.memory_space<hbm>>
        %dma_start3A_56 = arith.constant 0 : i32
        %dma_start3A_57 = tpu.memref_slice %arg4[%mul3A_10, %mul3A_2, %dma_start3A_56] : memref<26x4096x128xf32, #tpu.memory_space<hbm>> -> memref<1x128x64xf32, #tpu.memory_space<hbm>>
        %dma_start3A_58 = tpu.memref_squeeze %dma_start3A_57 : memref<1x128x64xf32, #tpu.memory_space<hbm>> -> memref<128x64xf32, #tpu.memory_space<hbm>>
        tpu.enqueue_dma source(%arg6 : memref<128x64xf32, #tpu.memory_space<vmem>>) target(%dma_start3A_58 : memref<128x64xf32, #tpu.memory_space<hbm>>) target_semaphore(%run_scoped3A : memref<!tpu.dma_semaphore, #tpu.memory_space<semaphore_mem>>)
        %dma_wait3A_59 = arith.constant 0 : i32
        %dma_wait3A_60 = tpu.memref_slice %arg4[%mul3A_10, %mul3A_2, %dma_wait3A_59] : memref<26x4096x128xf32, #tpu.memory_space<hbm>> -> memref<1x128x64xf32, #tpu.memory_space<hbm>>
        %dma_wait3A_61 = tpu.memref_squeeze %dma_wait3A_60 : memref<1x128x64xf32, #tpu.memory_space<hbm>> -> memref<128x64xf32, #tpu.memory_space<hbm>>
        %dma_wait3A_62 = arith.constant 0 : i32
        %dma_wait3A_63 = tpu.memref_slice %arg4[%mul3A_10, %mul3A_2, %dma_wait3A_62] : memref<26x4096x128xf32, #tpu.memory_space<hbm>> -> memref<1x128x64xf32, #tpu.memory_space<hbm>>
        %dma_wait3A_64 = tpu.memref_squeeze %dma_wait3A_63 : memref<1x128x64xf32, #tpu.memory_space<hbm>> -> memref<128x64xf32, #tpu.memory_space<hbm>>
        tpu.wait_dma2 semaphore(%run_scoped3A : memref<!tpu.dma_semaphore, #tpu.memory_space<semaphore_mem>>) src(%arg6 : memref<128x64xf32, #tpu.memory_space<vmem>>) dst(%dma_wait3A_64 : memref<128x64xf32, #tpu.memory_space<hbm>>)
        tpu.yield
      }) : () -> ()
      %dma_wait3A_43 = arith.constant 0 : i32
      %dma_wait3A_44 = tpu.memref_slice %arg5[%add3A_14, %dma_wait3A_43] : memref<26x128xi32, #tpu.memory_space<vmem>> -> memref<1x128xi32, #tpu.memory_space<vmem>>
      %dma_wait3A_45 = tpu.memref_squeeze %dma_wait3A_44 : memref<1x128xi32, #tpu.memory_space<vmem>> -> memref<128xi32, #tpu.memory_space<vmem>>
      %dma_wait3A_46 = arith.constant 0 : i32
      %dma_wait3A_47 = arith.constant 0 : i32
      %dma_wait3A_48 = tpu.memref_slice %arg2[%add3A_14, %dma_wait3A_46, %dma_wait3A_47] : memref<26x100000x64xf32, #tpu.memory_space<hbm>> -> memref<1x100000x64xf32, #tpu.memory_space<hbm>>
      %dma_wait3A_49 = tpu.memref_squeeze %dma_wait3A_48 : memref<1x100000x64xf32, #tpu.memory_space<hbm>> -> memref<100000x64xf32, #tpu.memory_space<hbm>>
      %dma_wait3A_50 = arith.constant 0 : i32
      %dma_wait3A_51 = arith.constant 0 : i32
      %dma_wait3A_52 = tpu.memref_slice %dma_wait3A_49[%dma_wait3A_50, %dma_wait3A_51] : memref<100000x64xf32, #tpu.memory_space<hbm>> -> memref<100000x64xf32, #tpu.memory_space<hbm>>
      tpu.wait_indirect_dma semaphore(%arg9 : memref<!tpu.dma_semaphore, #tpu.memory_space<semaphore_mem>>) src(%dma_wait3A_52 : memref<100000x64xf32, #tpu.memory_space<hbm>>) dst(%arg7 : memref<128x64xf32, #tpu.memory_space<vmem>>)
      "tpu.region"() ({
        %run_scoped3A = tpu.sem_alloc : memref<!tpu.dma_semaphore, #tpu.memory_space<semaphore_mem>>
        %dma_start3A_53 = arith.constant 0 : i32
        %dma_start3A_54 = tpu.memref_slice %arg4[%add3A_14, %mul3A_2, %dma_start3A_53] : memref<26x4096x128xf32, #tpu.memory_space<hbm>> -> memref<1x128x64xf32, #tpu.memory_space<hbm>>
        %dma_start3A_55 = tpu.memref_squeeze %dma_start3A_54 : memref<1x128x64xf32, #tpu.memory_space<hbm>> -> memref<128x64xf32, #tpu.memory_space<hbm>>
        %dma_start3A_56 = arith.constant 0 : i32
        %dma_start3A_57 = tpu.memref_slice %arg4[%add3A_14, %mul3A_2, %dma_start3A_56] : memref<26x4096x128xf32, #tpu.memory_space<hbm>> -> memref<1x128x64xf32, #tpu.memory_space<hbm>>
        %dma_start3A_58 = tpu.memref_squeeze %dma_start3A_57 : memref<1x128x64xf32, #tpu.memory_space<hbm>> -> memref<128x64xf32, #tpu.memory_space<hbm>>
        tpu.enqueue_dma source(%arg7 : memref<128x64xf32, #tpu.memory_space<vmem>>) target(%dma_start3A_58 : memref<128x64xf32, #tpu.memory_space<hbm>>) target_semaphore(%run_scoped3A : memref<!tpu.dma_semaphore, #tpu.memory_space<semaphore_mem>>)
        %dma_wait3A_59 = arith.constant 0 : i32
        %dma_wait3A_60 = tpu.memref_slice %arg4[%add3A_14, %mul3A_2, %dma_wait3A_59] : memref<26x4096x128xf32, #tpu.memory_space<hbm>> -> memref<1x128x64xf32, #tpu.memory_space<hbm>>
        %dma_wait3A_61 = tpu.memref_squeeze %dma_wait3A_60 : memref<1x128x64xf32, #tpu.memory_space<hbm>> -> memref<128x64xf32, #tpu.memory_space<hbm>>
        %dma_wait3A_62 = arith.constant 0 : i32
        %dma_wait3A_63 = tpu.memref_slice %arg4[%add3A_14, %mul3A_2, %dma_wait3A_62] : memref<26x4096x128xf32, #tpu.memory_space<hbm>> -> memref<1x128x64xf32, #tpu.memory_space<hbm>>
        %dma_wait3A_64 = tpu.memref_squeeze %dma_wait3A_63 : memref<1x128x64xf32, #tpu.memory_space<hbm>> -> memref<128x64xf32, #tpu.memory_space<hbm>>
        tpu.wait_dma2 semaphore(%run_scoped3A : memref<!tpu.dma_semaphore, #tpu.memory_space<semaphore_mem>>) src(%arg7 : memref<128x64xf32, #tpu.memory_space<vmem>>) dst(%dma_wait3A_64 : memref<128x64xf32, #tpu.memory_space<hbm>>)
        tpu.yield
      }) : () -> ()
    }
    %scan3A_7 = arith.constant 13 : i32
    return
  }
}

module attributes {stable_mosaic.version = 14 : i64} {
  func.func @_dense_body(%arg0: i32, %arg1: memref<256x13xf32, #tpu.memory_space<vmem>>, %arg2: memref<26x256x128xf32, #tpu.memory_space<vmem>>, %arg3: memref<13x512xf32, #tpu.memory_space<vmem>>, %arg4: memref<1x512xf32, #tpu.memory_space<vmem>>, %arg5: memref<512x256xf32, #tpu.memory_space<vmem>>, %arg6: memref<1x256xf32, #tpu.memory_space<vmem>>, %arg7: memref<256x64xf32, #tpu.memory_space<vmem>>, %arg8: memref<1x64xf32, #tpu.memory_space<vmem>>, %arg9: memref<512x64xf32, #tpu.memory_space<vmem>>, %arg10: memref<512x1xbf16, #tpu.memory_space<vmem>>, %arg11: memref<512x2xbf16, #tpu.memory_space<vmem>>, %arg12: memref<512x3xbf16, #tpu.memory_space<vmem>>, %arg13: memref<512x4xbf16, #tpu.memory_space<vmem>>, %arg14: memref<512x5xbf16, #tpu.memory_space<vmem>>, %arg15: memref<512x6xbf16, #tpu.memory_space<vmem>>, %arg16: memref<512x7xbf16, #tpu.memory_space<vmem>>, %arg17: memref<512x8xbf16, #tpu.memory_space<vmem>>, %arg18: memref<512x9xbf16, #tpu.memory_space<vmem>>, %arg19: memref<512x10xbf16, #tpu.memory_space<vmem>>, %arg20: memref<512x11xbf16, #tpu.memory_space<vmem>>, %arg21: memref<512x12xbf16, #tpu.memory_space<vmem>>, %arg22: memref<512x13xbf16, #tpu.memory_space<vmem>>, %arg23: memref<512x14xbf16, #tpu.memory_space<vmem>>, %arg24: memref<512x15xbf16, #tpu.memory_space<vmem>>, %arg25: memref<512x16xbf16, #tpu.memory_space<vmem>>, %arg26: memref<512x17xbf16, #tpu.memory_space<vmem>>, %arg27: memref<512x18xbf16, #tpu.memory_space<vmem>>, %arg28: memref<512x19xbf16, #tpu.memory_space<vmem>>, %arg29: memref<512x20xbf16, #tpu.memory_space<vmem>>, %arg30: memref<512x21xbf16, #tpu.memory_space<vmem>>, %arg31: memref<512x22xbf16, #tpu.memory_space<vmem>>, %arg32: memref<512x23xbf16, #tpu.memory_space<vmem>>, %arg33: memref<512x24xbf16, #tpu.memory_space<vmem>>, %arg34: memref<512x25xbf16, #tpu.memory_space<vmem>>, %arg35: memref<512x26xbf16, #tpu.memory_space<vmem>>, %arg36: memref<512x1xf32, #tpu.memory_space<vmem>>, %arg37: memref<256x512xf32, #tpu.memory_space<vmem>>, %arg38: memref<256x1xf32, #tpu.memory_space<vmem>>, %arg39: memref<1x256xf32, #tpu.memory_space<vmem>>, %arg40: memref<1x1xf32, #tpu.memory_space<vmem>>, %arg41: memref<1x256xf32, #tpu.memory_space<vmem>>) attributes {dimension_semantics = [#tpu.dimension_semantics<arbitrary>], iteration_bounds = array<i64: 16>, scalar_prefetch = 0 : i64, scratch_operands = 0 : i64, tpu.core_type = #tpu.core_type<tc>, window_params = [{transform_indices = @transform_0, window_bounds = array<i64: 256, 13>}, {transform_indices = @transform_1, window_bounds = array<i64: 26, 256, 128>}, {pipeline_mode = #tpu.pipeline_mode<synchronous>, transform_indices = @transform_2, window_bounds = array<i64: 13, 512>}, {pipeline_mode = #tpu.pipeline_mode<synchronous>, transform_indices = @transform_3, window_bounds = array<i64: 1, 512>}, {pipeline_mode = #tpu.pipeline_mode<synchronous>, transform_indices = @transform_4, window_bounds = array<i64: 512, 256>}, {pipeline_mode = #tpu.pipeline_mode<synchronous>, transform_indices = @transform_5, window_bounds = array<i64: 1, 256>}, {pipeline_mode = #tpu.pipeline_mode<synchronous>, transform_indices = @transform_6, window_bounds = array<i64: 256, 64>}, {pipeline_mode = #tpu.pipeline_mode<synchronous>, transform_indices = @transform_7, window_bounds = array<i64: 1, 64>}, {pipeline_mode = #tpu.pipeline_mode<synchronous>, transform_indices = @transform_8, window_bounds = array<i64: 512, 64>}, {pipeline_mode = #tpu.pipeline_mode<synchronous>, transform_indices = @transform_9, window_bounds = array<i64: 512, 1>}, {pipeline_mode = #tpu.pipeline_mode<synchronous>, transform_indices = @transform_10, window_bounds = array<i64: 512, 2>}, {pipeline_mode = #tpu.pipeline_mode<synchronous>, transform_indices = @transform_11, window_bounds = array<i64: 512, 3>}, {pipeline_mode = #tpu.pipeline_mode<synchronous>, transform_indices = @transform_12, window_bounds = array<i64: 512, 4>}, {pipeline_mode = #tpu.pipeline_mode<synchronous>, transform_indices = @transform_13, window_bounds = array<i64: 512, 5>}, {pipeline_mode = #tpu.pipeline_mode<synchronous>, transform_indices = @transform_14, window_bounds = array<i64: 512, 6>}, {pipeline_mode = #tpu.pipeline_mode<synchronous>, transform_indices = @transform_15, window_bounds = array<i64: 512, 7>}, {pipeline_mode = #tpu.pipeline_mode<synchronous>, transform_indices = @transform_16, window_bounds = array<i64: 512, 8>}, {pipeline_mode = #tpu.pipeline_mode<synchronous>, transform_indices = @transform_17, window_bounds = array<i64: 512, 9>}, {pipeline_mode = #tpu.pipeline_mode<synchronous>, transform_indices = @transform_18, window_bounds = array<i64: 512, 10>}, {pipeline_mode = #tpu.pipeline_mode<synchronous>, transform_indices = @transform_19, window_bounds = array<i64: 512, 11>}, {pipeline_mode = #tpu.pipeline_mode<synchronous>, transform_indices = @transform_20, window_bounds = array<i64: 512, 12>}, {pipeline_mode = #tpu.pipeline_mode<synchronous>, transform_indices = @transform_21, window_bounds = array<i64: 512, 13>}, {pipeline_mode = #tpu.pipeline_mode<synchronous>, transform_indices = @transform_22, window_bounds = array<i64: 512, 14>}, {pipeline_mode = #tpu.pipeline_mode<synchronous>, transform_indices = @transform_23, window_bounds = array<i64: 512, 15>}, {pipeline_mode = #tpu.pipeline_mode<synchronous>, transform_indices = @transform_24, window_bounds = array<i64: 512, 16>}, {pipeline_mode = #tpu.pipeline_mode<synchronous>, transform_indices = @transform_25, window_bounds = array<i64: 512, 17>}, {pipeline_mode = #tpu.pipeline_mode<synchronous>, transform_indices = @transform_26, window_bounds = array<i64: 512, 18>}, {pipeline_mode = #tpu.pipeline_mode<synchronous>, transform_indices = @transform_27, window_bounds = array<i64: 512, 19>}, {pipeline_mode = #tpu.pipeline_mode<synchronous>, transform_indices = @transform_28, window_bounds = array<i64: 512, 20>}, {pipeline_mode = #tpu.pipeline_mode<synchronous>, transform_indices = @transform_29, window_bounds = array<i64: 512, 21>}, {pipeline_mode = #tpu.pipeline_mode<synchronous>, transform_indices = @transform_30, window_bounds = array<i64: 512, 22>}, {pipeline_mode = #tpu.pipeline_mode<synchronous>, transform_indices = @transform_31, window_bounds = array<i64: 512, 23>}, {pipeline_mode = #tpu.pipeline_mode<synchronous>, transform_indices = @transform_32, window_bounds = array<i64: 512, 24>}, {pipeline_mode = #tpu.pipeline_mode<synchronous>, transform_indices = @transform_33, window_bounds = array<i64: 512, 25>}, {pipeline_mode = #tpu.pipeline_mode<synchronous>, transform_indices = @transform_34, window_bounds = array<i64: 512, 26>}, {pipeline_mode = #tpu.pipeline_mode<synchronous>, transform_indices = @transform_35, window_bounds = array<i64: 512, 1>}, {pipeline_mode = #tpu.pipeline_mode<synchronous>, transform_indices = @transform_36, window_bounds = array<i64: 256, 512>}, {pipeline_mode = #tpu.pipeline_mode<synchronous>, transform_indices = @transform_37, window_bounds = array<i64: 256, 1>}, {pipeline_mode = #tpu.pipeline_mode<synchronous>, transform_indices = @transform_38, window_bounds = array<i64: 1, 256>}, {pipeline_mode = #tpu.pipeline_mode<synchronous>, transform_indices = @transform_39, window_bounds = array<i64: 1, 1>}, {transform_indices = @transform_40, window_bounds = array<i64: 1, 256>}]} {
    %get3A = arith.constant 0 : index
    %get3A_0 = arith.constant 0 : index
    %get3A_1 = vector.load %arg1[%get3A, %get3A_0] : memref<256x13xf32, #tpu.memory_space<vmem>>, vector<256x13xf32>
    %get3A_2 = arith.constant 0 : index
    %get3A_3 = arith.constant 0 : index
    %get3A_4 = vector.load %arg3[%get3A_2, %get3A_3] : memref<13x512xf32, #tpu.memory_space<vmem>>, vector<13x512xf32>
    %dot_general3A = arith.constant dense<0.000000e+00> : vector<256x512xf32>
    %dot_general3A_5 = tpu.matmul %get3A_1, %get3A_4, %dot_general3A {dimension_numbers = #tpu.dot_dimension_numbers<[1], [0], [0], [1], [0, 0, 1, 1], [], []>, transpose_lhs_hint = false} : vector<256x13xf32>, vector<13x512xf32>, vector<256x512xf32> -> vector<256x512xf32>
    %get3A_6 = arith.constant 0 : index
    %get3A_7 = arith.constant 0 : index
    %get3A_8 = vector.load %arg4[%get3A_6, %get3A_7] : memref<1x512xf32, #tpu.memory_space<vmem>>, vector<1x512xf32>
    %add3A = vector.broadcast %get3A_8 : vector<1x512xf32> to vector<256x512xf32>
    %add3A_9 = arith.addf %dot_general3A_5, %add3A : vector<256x512xf32>
    %max3A = arith.constant 0.000000e+00 : f32
    %max3A_10 = vector.broadcast %max3A : f32 to vector<256x512xf32>
    %max3A_11 = arith.maximumf %add3A_9, %max3A_10 : vector<256x512xf32>
    %get3A_12 = arith.constant 0 : index
    %get3A_13 = arith.constant 0 : index
    %get3A_14 = vector.load %arg5[%get3A_12, %get3A_13] : memref<512x256xf32, #tpu.memory_space<vmem>>, vector<512x256xf32>
    %dot_general3A_15 = arith.constant dense<0.000000e+00> : vector<256x256xf32>
    %dot_general3A_16 = tpu.matmul %max3A_11, %get3A_14, %dot_general3A_15 {dimension_numbers = #tpu.dot_dimension_numbers<[1], [0], [0], [1], [0, 0, 1, 1], [], []>, transpose_lhs_hint = false} : vector<256x512xf32>, vector<512x256xf32>, vector<256x256xf32> -> vector<256x256xf32>
    %get3A_17 = arith.constant 0 : index
    %get3A_18 = arith.constant 0 : index
    %get3A_19 = vector.load %arg6[%get3A_17, %get3A_18] : memref<1x256xf32, #tpu.memory_space<vmem>>, vector<1x256xf32>
    %add3A_20 = vector.broadcast %get3A_19 : vector<1x256xf32> to vector<256x256xf32>
    %add3A_21 = arith.addf %dot_general3A_16, %add3A_20 : vector<256x256xf32>
    %max3A_22 = arith.constant 0.000000e+00 : f32
    %max3A_23 = vector.broadcast %max3A_22 : f32 to vector<256x256xf32>
    %max3A_24 = arith.maximumf %add3A_21, %max3A_23 : vector<256x256xf32>
    %get3A_25 = arith.constant 0 : index
    %get3A_26 = arith.constant 0 : index
    %get3A_27 = vector.load %arg7[%get3A_25, %get3A_26] : memref<256x64xf32, #tpu.memory_space<vmem>>, vector<256x64xf32>
    %dot_general3A_28 = arith.constant dense<0.000000e+00> : vector<256x64xf32>
    %dot_general3A_29 = tpu.matmul %max3A_24, %get3A_27, %dot_general3A_28 {dimension_numbers = #tpu.dot_dimension_numbers<[1], [0], [0], [1], [0, 0, 1, 1], [], []>, transpose_lhs_hint = false} : vector<256x256xf32>, vector<256x64xf32>, vector<256x64xf32> -> vector<256x64xf32>
    %get3A_30 = arith.constant 0 : index
    %get3A_31 = arith.constant 0 : index
    %get3A_32 = vector.load %arg8[%get3A_30, %get3A_31] : memref<1x64xf32, #tpu.memory_space<vmem>>, vector<1x64xf32>
    %add3A_33 = vector.broadcast %get3A_32 : vector<1x64xf32> to vector<256x64xf32>
    %add3A_34 = arith.addf %dot_general3A_29, %add3A_33 : vector<256x64xf32>
    %max3A_35 = arith.constant 0.000000e+00 : f32
    %max3A_36 = vector.broadcast %max3A_35 : f32 to vector<256x64xf32>
    %max3A_37 = arith.maximumf %add3A_34, %max3A_36 : vector<256x64xf32>
    %get3A_38 = arith.constant 0 : index
    %get3A_39 = arith.constant 0 : index
    %get3A_40 = arith.constant 0 : index
    %get3A_41 = vector.load %arg2[%get3A_38, %get3A_39, %get3A_40] : memref<26x256x128xf32, #tpu.memory_space<vmem>>, vector<26x256x64xf32>
    %broadcast_in_dim3A = vector.shape_cast %max3A_37 : vector<256x64xf32> to vector<1x256x64xf32>
    %concatenate3A = tpu.concatenate %broadcast_in_dim3A, %get3A_41 in 0 : vector<1x256x64xf32>, vector<26x256x64xf32> -> vector<27x256x64xf32>
    %convert_element_type3A = arith.truncf %concatenate3A : vector<27x256x64xf32> to vector<27x256x64xbf16>
    %get3A_42 = arith.constant 0 : index
    %get3A_43 = arith.constant 0 : index
    %get3A_44 = vector.load %arg9[%get3A_42, %get3A_43] : memref<512x64xf32, #tpu.memory_space<vmem>>, vector<512x64xf32>
    %dot_general3A_45 = arith.constant dense<0.000000e+00> : vector<512x256xf32>
    %dot_general3A_46 = tpu.matmul %get3A_44, %max3A_37, %dot_general3A_45 {dimension_numbers = #tpu.dot_dimension_numbers<[1], [1], [0], [0], [0, 0, 1, 0], [], []>, transpose_lhs_hint = false} : vector<512x64xf32>, vector<256x64xf32>, vector<512x256xf32> -> vector<512x256xf32>
    %get3A_47 = arith.constant 0 : index
    %get3A_48 = arith.constant 0 : index
    %get3A_49 = vector.load %arg36[%get3A_47, %get3A_48] : memref<512x1xf32, #tpu.memory_space<vmem>>, vector<512x1xf32>
    %add3A_50 = vector.broadcast %get3A_49 : vector<512x1xf32> to vector<512x256xf32>
    %add3A_51 = arith.addf %dot_general3A_46, %add3A_50 : vector<512x256xf32>
    %slice3A = vector.extract_strided_slice %convert_element_type3A {offsets = [1, 0, 0], sizes = [1, 256, 64], strides = [1, 1, 1]} : vector<27x256x64xbf16> to vector<1x256x64xbf16>
    %squeeze3A = vector.shape_cast %slice3A : vector<1x256x64xbf16> to vector<256x64xbf16>
    %slice3A_52 = vector.extract_strided_slice %convert_element_type3A {offsets = [0, 0, 0], sizes = [1, 256, 64], strides = [1, 1, 1]} : vector<27x256x64xbf16> to vector<1x256x64xbf16>
    %broadcast_in_dim3A_53 = vector.shape_cast %squeeze3A : vector<256x64xbf16> to vector<1x256x64xbf16>
    %mul3A = arith.mulf %broadcast_in_dim3A_53, %slice3A_52 : vector<1x256x64xbf16>
    %convert_element_type3A_54 = arith.extf %mul3A : vector<1x256x64xbf16> to vector<1x256x64xf32>
    %reduce_sum3A = arith.constant dense<0.000000e+00> : vector<1x256xf32>
    %reduce_sum3A_55 = vector.multi_reduction <add>, %convert_element_type3A_54, %reduce_sum3A [2] : vector<1x256x64xf32> to vector<1x256xf32>
    %convert_element_type3A_56 = arith.truncf %reduce_sum3A_55 : vector<1x256xf32> to vector<1x256xbf16>
    %get3A_57 = arith.constant 0 : index
    %get3A_58 = arith.constant 0 : index
    %get3A_59 = vector.load %arg10[%get3A_57, %get3A_58] : memref<512x1xbf16, #tpu.memory_space<vmem>>, vector<512x1xbf16>
    %dot_general3A_60 = arith.constant dense<0.000000e+00> : vector<512x256xf32>
    %dot_general3A_61 = tpu.matmul %get3A_59, %convert_element_type3A_56, %dot_general3A_60 {dimension_numbers = #tpu.dot_dimension_numbers<[1], [0], [0], [1], [0, 0, 1, 1], [], []>, transpose_lhs_hint = false} : vector<512x1xbf16>, vector<1x256xbf16>, vector<512x256xf32> -> vector<512x256xf32>
    %add3A_62 = arith.addf %add3A_51, %dot_general3A_61 : vector<512x256xf32>
    %slice3A_63 = vector.extract_strided_slice %convert_element_type3A {offsets = [2, 0, 0], sizes = [1, 256, 64], strides = [1, 1, 1]} : vector<27x256x64xbf16> to vector<1x256x64xbf16>
    %squeeze3A_64 = vector.shape_cast %slice3A_63 : vector<1x256x64xbf16> to vector<256x64xbf16>
    %slice3A_65 = vector.extract_strided_slice %convert_element_type3A {offsets = [0, 0, 0], sizes = [2, 256, 64], strides = [1, 1, 1]} : vector<27x256x64xbf16> to vector<2x256x64xbf16>
    %broadcast_in_dim3A_66 = vector.shape_cast %squeeze3A_64 : vector<256x64xbf16> to vector<1x256x64xbf16>
    %mul3A_67 = vector.broadcast %broadcast_in_dim3A_66 : vector<1x256x64xbf16> to vector<2x256x64xbf16>
    %mul3A_68 = arith.mulf %mul3A_67, %slice3A_65 : vector<2x256x64xbf16>
    %convert_element_type3A_69 = arith.extf %mul3A_68 : vector<2x256x64xbf16> to vector<2x256x64xf32>
    %reduce_sum3A_70 = arith.constant dense<0.000000e+00> : vector<2x256xf32>
    %reduce_sum3A_71 = vector.multi_reduction <add>, %convert_element_type3A_69, %reduce_sum3A_70 [2] : vector<2x256x64xf32> to vector<2x256xf32>
    %convert_element_type3A_72 = arith.truncf %reduce_sum3A_71 : vector<2x256xf32> to vector<2x256xbf16>
    %get3A_73 = arith.constant 0 : index
    %get3A_74 = arith.constant 0 : index
    %get3A_75 = vector.load %arg11[%get3A_73, %get3A_74] : memref<512x2xbf16, #tpu.memory_space<vmem>>, vector<512x2xbf16>
    %dot_general3A_76 = arith.constant dense<0.000000e+00> : vector<512x256xf32>
    %dot_general3A_77 = tpu.matmul %get3A_75, %convert_element_type3A_72, %dot_general3A_76 {dimension_numbers = #tpu.dot_dimension_numbers<[1], [0], [0], [1], [0, 0, 1, 1], [], []>, transpose_lhs_hint = false} : vector<512x2xbf16>, vector<2x256xbf16>, vector<512x256xf32> -> vector<512x256xf32>
    %add3A_78 = arith.addf %add3A_62, %dot_general3A_77 : vector<512x256xf32>
    %slice3A_79 = vector.extract_strided_slice %convert_element_type3A {offsets = [3, 0, 0], sizes = [1, 256, 64], strides = [1, 1, 1]} : vector<27x256x64xbf16> to vector<1x256x64xbf16>
    %squeeze3A_80 = vector.shape_cast %slice3A_79 : vector<1x256x64xbf16> to vector<256x64xbf16>
    %slice3A_81 = vector.extract_strided_slice %convert_element_type3A {offsets = [0, 0, 0], sizes = [3, 256, 64], strides = [1, 1, 1]} : vector<27x256x64xbf16> to vector<3x256x64xbf16>
    %broadcast_in_dim3A_82 = vector.shape_cast %squeeze3A_80 : vector<256x64xbf16> to vector<1x256x64xbf16>
    %mul3A_83 = vector.broadcast %broadcast_in_dim3A_82 : vector<1x256x64xbf16> to vector<3x256x64xbf16>
    %mul3A_84 = arith.mulf %mul3A_83, %slice3A_81 : vector<3x256x64xbf16>
    %convert_element_type3A_85 = arith.extf %mul3A_84 : vector<3x256x64xbf16> to vector<3x256x64xf32>
    %reduce_sum3A_86 = arith.constant dense<0.000000e+00> : vector<3x256xf32>
    %reduce_sum3A_87 = vector.multi_reduction <add>, %convert_element_type3A_85, %reduce_sum3A_86 [2] : vector<3x256x64xf32> to vector<3x256xf32>
    %convert_element_type3A_88 = arith.truncf %reduce_sum3A_87 : vector<3x256xf32> to vector<3x256xbf16>
    %get3A_89 = arith.constant 0 : index
    %get3A_90 = arith.constant 0 : index
    %get3A_91 = vector.load %arg12[%get3A_89, %get3A_90] : memref<512x3xbf16, #tpu.memory_space<vmem>>, vector<512x3xbf16>
    %dot_general3A_92 = arith.constant dense<0.000000e+00> : vector<512x256xf32>
    %dot_general3A_93 = tpu.matmul %get3A_91, %convert_element_type3A_88, %dot_general3A_92 {dimension_numbers = #tpu.dot_dimension_numbers<[1], [0], [0], [1], [0, 0, 1, 1], [], []>, transpose_lhs_hint = false} : vector<512x3xbf16>, vector<3x256xbf16>, vector<512x256xf32> -> vector<512x256xf32>
    %add3A_94 = arith.addf %add3A_78, %dot_general3A_93 : vector<512x256xf32>
    %slice3A_95 = vector.extract_strided_slice %convert_element_type3A {offsets = [4, 0, 0], sizes = [1, 256, 64], strides = [1, 1, 1]} : vector<27x256x64xbf16> to vector<1x256x64xbf16>
    %squeeze3A_96 = vector.shape_cast %slice3A_95 : vector<1x256x64xbf16> to vector<256x64xbf16>
    %slice3A_97 = vector.extract_strided_slice %convert_element_type3A {offsets = [0, 0, 0], sizes = [4, 256, 64], strides = [1, 1, 1]} : vector<27x256x64xbf16> to vector<4x256x64xbf16>
    %broadcast_in_dim3A_98 = vector.shape_cast %squeeze3A_96 : vector<256x64xbf16> to vector<1x256x64xbf16>
    %mul3A_99 = vector.broadcast %broadcast_in_dim3A_98 : vector<1x256x64xbf16> to vector<4x256x64xbf16>
    %mul3A_100 = arith.mulf %mul3A_99, %slice3A_97 : vector<4x256x64xbf16>
    %convert_element_type3A_101 = arith.extf %mul3A_100 : vector<4x256x64xbf16> to vector<4x256x64xf32>
    %reduce_sum3A_102 = arith.constant dense<0.000000e+00> : vector<4x256xf32>
    %reduce_sum3A_103 = vector.multi_reduction <add>, %convert_element_type3A_101, %reduce_sum3A_102 [2] : vector<4x256x64xf32> to vector<4x256xf32>
    %convert_element_type3A_104 = arith.truncf %reduce_sum3A_103 : vector<4x256xf32> to vector<4x256xbf16>
    %get3A_105 = arith.constant 0 : index
    %get3A_106 = arith.constant 0 : index
    %get3A_107 = vector.load %arg13[%get3A_105, %get3A_106] : memref<512x4xbf16, #tpu.memory_space<vmem>>, vector<512x4xbf16>
    %dot_general3A_108 = arith.constant dense<0.000000e+00> : vector<512x256xf32>
    %dot_general3A_109 = tpu.matmul %get3A_107, %convert_element_type3A_104, %dot_general3A_108 {dimension_numbers = #tpu.dot_dimension_numbers<[1], [0], [0], [1], [0, 0, 1, 1], [], []>, transpose_lhs_hint = false} : vector<512x4xbf16>, vector<4x256xbf16>, vector<512x256xf32> -> vector<512x256xf32>
    %add3A_110 = arith.addf %add3A_94, %dot_general3A_109 : vector<512x256xf32>
    %slice3A_111 = vector.extract_strided_slice %convert_element_type3A {offsets = [5, 0, 0], sizes = [1, 256, 64], strides = [1, 1, 1]} : vector<27x256x64xbf16> to vector<1x256x64xbf16>
    %squeeze3A_112 = vector.shape_cast %slice3A_111 : vector<1x256x64xbf16> to vector<256x64xbf16>
    %slice3A_113 = vector.extract_strided_slice %convert_element_type3A {offsets = [0, 0, 0], sizes = [5, 256, 64], strides = [1, 1, 1]} : vector<27x256x64xbf16> to vector<5x256x64xbf16>
    %broadcast_in_dim3A_114 = vector.shape_cast %squeeze3A_112 : vector<256x64xbf16> to vector<1x256x64xbf16>
    %mul3A_115 = vector.broadcast %broadcast_in_dim3A_114 : vector<1x256x64xbf16> to vector<5x256x64xbf16>
    %mul3A_116 = arith.mulf %mul3A_115, %slice3A_113 : vector<5x256x64xbf16>
    %convert_element_type3A_117 = arith.extf %mul3A_116 : vector<5x256x64xbf16> to vector<5x256x64xf32>
    %reduce_sum3A_118 = arith.constant dense<0.000000e+00> : vector<5x256xf32>
    %reduce_sum3A_119 = vector.multi_reduction <add>, %convert_element_type3A_117, %reduce_sum3A_118 [2] : vector<5x256x64xf32> to vector<5x256xf32>
    %convert_element_type3A_120 = arith.truncf %reduce_sum3A_119 : vector<5x256xf32> to vector<5x256xbf16>
    %get3A_121 = arith.constant 0 : index
    %get3A_122 = arith.constant 0 : index
    %get3A_123 = vector.load %arg14[%get3A_121, %get3A_122] : memref<512x5xbf16, #tpu.memory_space<vmem>>, vector<512x5xbf16>
    %dot_general3A_124 = arith.constant dense<0.000000e+00> : vector<512x256xf32>
    %dot_general3A_125 = tpu.matmul %get3A_123, %convert_element_type3A_120, %dot_general3A_124 {dimension_numbers = #tpu.dot_dimension_numbers<[1], [0], [0], [1], [0, 0, 1, 1], [], []>, transpose_lhs_hint = false} : vector<512x5xbf16>, vector<5x256xbf16>, vector<512x256xf32> -> vector<512x256xf32>
    %add3A_126 = arith.addf %add3A_110, %dot_general3A_125 : vector<512x256xf32>
    %slice3A_127 = vector.extract_strided_slice %convert_element_type3A {offsets = [6, 0, 0], sizes = [1, 256, 64], strides = [1, 1, 1]} : vector<27x256x64xbf16> to vector<1x256x64xbf16>
    %squeeze3A_128 = vector.shape_cast %slice3A_127 : vector<1x256x64xbf16> to vector<256x64xbf16>
    %slice3A_129 = vector.extract_strided_slice %convert_element_type3A {offsets = [0, 0, 0], sizes = [6, 256, 64], strides = [1, 1, 1]} : vector<27x256x64xbf16> to vector<6x256x64xbf16>
    %broadcast_in_dim3A_130 = vector.shape_cast %squeeze3A_128 : vector<256x64xbf16> to vector<1x256x64xbf16>
    %mul3A_131 = vector.broadcast %broadcast_in_dim3A_130 : vector<1x256x64xbf16> to vector<6x256x64xbf16>
    %mul3A_132 = arith.mulf %mul3A_131, %slice3A_129 : vector<6x256x64xbf16>
    %convert_element_type3A_133 = arith.extf %mul3A_132 : vector<6x256x64xbf16> to vector<6x256x64xf32>
    %reduce_sum3A_134 = arith.constant dense<0.000000e+00> : vector<6x256xf32>
    %reduce_sum3A_135 = vector.multi_reduction <add>, %convert_element_type3A_133, %reduce_sum3A_134 [2] : vector<6x256x64xf32> to vector<6x256xf32>
    %convert_element_type3A_136 = arith.truncf %reduce_sum3A_135 : vector<6x256xf32> to vector<6x256xbf16>
    %get3A_137 = arith.constant 0 : index
    %get3A_138 = arith.constant 0 : index
    %get3A_139 = vector.load %arg15[%get3A_137, %get3A_138] : memref<512x6xbf16, #tpu.memory_space<vmem>>, vector<512x6xbf16>
    %dot_general3A_140 = arith.constant dense<0.000000e+00> : vector<512x256xf32>
    %dot_general3A_141 = tpu.matmul %get3A_139, %convert_element_type3A_136, %dot_general3A_140 {dimension_numbers = #tpu.dot_dimension_numbers<[1], [0], [0], [1], [0, 0, 1, 1], [], []>, transpose_lhs_hint = false} : vector<512x6xbf16>, vector<6x256xbf16>, vector<512x256xf32> -> vector<512x256xf32>
    %add3A_142 = arith.addf %add3A_126, %dot_general3A_141 : vector<512x256xf32>
    %slice3A_143 = vector.extract_strided_slice %convert_element_type3A {offsets = [7, 0, 0], sizes = [1, 256, 64], strides = [1, 1, 1]} : vector<27x256x64xbf16> to vector<1x256x64xbf16>
    %squeeze3A_144 = vector.shape_cast %slice3A_143 : vector<1x256x64xbf16> to vector<256x64xbf16>
    %slice3A_145 = vector.extract_strided_slice %convert_element_type3A {offsets = [0, 0, 0], sizes = [7, 256, 64], strides = [1, 1, 1]} : vector<27x256x64xbf16> to vector<7x256x64xbf16>
    %broadcast_in_dim3A_146 = vector.shape_cast %squeeze3A_144 : vector<256x64xbf16> to vector<1x256x64xbf16>
    %mul3A_147 = vector.broadcast %broadcast_in_dim3A_146 : vector<1x256x64xbf16> to vector<7x256x64xbf16>
    %mul3A_148 = arith.mulf %mul3A_147, %slice3A_145 : vector<7x256x64xbf16>
    %convert_element_type3A_149 = arith.extf %mul3A_148 : vector<7x256x64xbf16> to vector<7x256x64xf32>
    %reduce_sum3A_150 = arith.constant dense<0.000000e+00> : vector<7x256xf32>
    %reduce_sum3A_151 = vector.multi_reduction <add>, %convert_element_type3A_149, %reduce_sum3A_150 [2] : vector<7x256x64xf32> to vector<7x256xf32>
    %convert_element_type3A_152 = arith.truncf %reduce_sum3A_151 : vector<7x256xf32> to vector<7x256xbf16>
    %get3A_153 = arith.constant 0 : index
    %get3A_154 = arith.constant 0 : index
    %get3A_155 = vector.load %arg16[%get3A_153, %get3A_154] : memref<512x7xbf16, #tpu.memory_space<vmem>>, vector<512x7xbf16>
    %dot_general3A_156 = arith.constant dense<0.000000e+00> : vector<512x256xf32>
    %dot_general3A_157 = tpu.matmul %get3A_155, %convert_element_type3A_152, %dot_general3A_156 {dimension_numbers = #tpu.dot_dimension_numbers<[1], [0], [0], [1], [0, 0, 1, 1], [], []>, transpose_lhs_hint = false} : vector<512x7xbf16>, vector<7x256xbf16>, vector<512x256xf32> -> vector<512x256xf32>
    %add3A_158 = arith.addf %add3A_142, %dot_general3A_157 : vector<512x256xf32>
    %slice3A_159 = vector.extract_strided_slice %convert_element_type3A {offsets = [8, 0, 0], sizes = [1, 256, 64], strides = [1, 1, 1]} : vector<27x256x64xbf16> to vector<1x256x64xbf16>
    %squeeze3A_160 = vector.shape_cast %slice3A_159 : vector<1x256x64xbf16> to vector<256x64xbf16>
    %slice3A_161 = vector.extract_strided_slice %convert_element_type3A {offsets = [0, 0, 0], sizes = [8, 256, 64], strides = [1, 1, 1]} : vector<27x256x64xbf16> to vector<8x256x64xbf16>
    %broadcast_in_dim3A_162 = vector.shape_cast %squeeze3A_160 : vector<256x64xbf16> to vector<1x256x64xbf16>
    %mul3A_163 = vector.broadcast %broadcast_in_dim3A_162 : vector<1x256x64xbf16> to vector<8x256x64xbf16>
    %mul3A_164 = arith.mulf %mul3A_163, %slice3A_161 : vector<8x256x64xbf16>
    %convert_element_type3A_165 = arith.extf %mul3A_164 : vector<8x256x64xbf16> to vector<8x256x64xf32>
    %reduce_sum3A_166 = arith.constant dense<0.000000e+00> : vector<8x256xf32>
    %reduce_sum3A_167 = vector.multi_reduction <add>, %convert_element_type3A_165, %reduce_sum3A_166 [2] : vector<8x256x64xf32> to vector<8x256xf32>
    %convert_element_type3A_168 = arith.truncf %reduce_sum3A_167 : vector<8x256xf32> to vector<8x256xbf16>
    %get3A_169 = arith.constant 0 : index
    %get3A_170 = arith.constant 0 : index
    %get3A_171 = vector.load %arg17[%get3A_169, %get3A_170] : memref<512x8xbf16, #tpu.memory_space<vmem>>, vector<512x8xbf16>
    %dot_general3A_172 = arith.constant dense<0.000000e+00> : vector<512x256xf32>
    %dot_general3A_173 = tpu.matmul %get3A_171, %convert_element_type3A_168, %dot_general3A_172 {dimension_numbers = #tpu.dot_dimension_numbers<[1], [0], [0], [1], [0, 0, 1, 1], [], []>, transpose_lhs_hint = false} : vector<512x8xbf16>, vector<8x256xbf16>, vector<512x256xf32> -> vector<512x256xf32>
    %add3A_174 = arith.addf %add3A_158, %dot_general3A_173 : vector<512x256xf32>
    %slice3A_175 = vector.extract_strided_slice %convert_element_type3A {offsets = [9, 0, 0], sizes = [1, 256, 64], strides = [1, 1, 1]} : vector<27x256x64xbf16> to vector<1x256x64xbf16>
    %squeeze3A_176 = vector.shape_cast %slice3A_175 : vector<1x256x64xbf16> to vector<256x64xbf16>
    %slice3A_177 = vector.extract_strided_slice %convert_element_type3A {offsets = [0, 0, 0], sizes = [9, 256, 64], strides = [1, 1, 1]} : vector<27x256x64xbf16> to vector<9x256x64xbf16>
    %broadcast_in_dim3A_178 = vector.shape_cast %squeeze3A_176 : vector<256x64xbf16> to vector<1x256x64xbf16>
    %mul3A_179 = vector.broadcast %broadcast_in_dim3A_178 : vector<1x256x64xbf16> to vector<9x256x64xbf16>
    %mul3A_180 = arith.mulf %mul3A_179, %slice3A_177 : vector<9x256x64xbf16>
    %convert_element_type3A_181 = arith.extf %mul3A_180 : vector<9x256x64xbf16> to vector<9x256x64xf32>
    %reduce_sum3A_182 = arith.constant dense<0.000000e+00> : vector<9x256xf32>
    %reduce_sum3A_183 = vector.multi_reduction <add>, %convert_element_type3A_181, %reduce_sum3A_182 [2] : vector<9x256x64xf32> to vector<9x256xf32>
    %convert_element_type3A_184 = arith.truncf %reduce_sum3A_183 : vector<9x256xf32> to vector<9x256xbf16>
    %get3A_185 = arith.constant 0 : index
    %get3A_186 = arith.constant 0 : index
    %get3A_187 = vector.load %arg18[%get3A_185, %get3A_186] : memref<512x9xbf16, #tpu.memory_space<vmem>>, vector<512x9xbf16>
    %dot_general3A_188 = arith.constant dense<0.000000e+00> : vector<512x256xf32>
    %dot_general3A_189 = tpu.matmul %get3A_187, %convert_element_type3A_184, %dot_general3A_188 {dimension_numbers = #tpu.dot_dimension_numbers<[1], [0], [0], [1], [0, 0, 1, 1], [], []>, transpose_lhs_hint = false} : vector<512x9xbf16>, vector<9x256xbf16>, vector<512x256xf32> -> vector<512x256xf32>
    %add3A_190 = arith.addf %add3A_174, %dot_general3A_189 : vector<512x256xf32>
    %slice3A_191 = vector.extract_strided_slice %convert_element_type3A {offsets = [10, 0, 0], sizes = [1, 256, 64], strides = [1, 1, 1]} : vector<27x256x64xbf16> to vector<1x256x64xbf16>
    %squeeze3A_192 = vector.shape_cast %slice3A_191 : vector<1x256x64xbf16> to vector<256x64xbf16>
    %slice3A_193 = vector.extract_strided_slice %convert_element_type3A {offsets = [0, 0, 0], sizes = [10, 256, 64], strides = [1, 1, 1]} : vector<27x256x64xbf16> to vector<10x256x64xbf16>
    %broadcast_in_dim3A_194 = vector.shape_cast %squeeze3A_192 : vector<256x64xbf16> to vector<1x256x64xbf16>
    %mul3A_195 = vector.broadcast %broadcast_in_dim3A_194 : vector<1x256x64xbf16> to vector<10x256x64xbf16>
    %mul3A_196 = arith.mulf %mul3A_195, %slice3A_193 : vector<10x256x64xbf16>
    %convert_element_type3A_197 = arith.extf %mul3A_196 : vector<10x256x64xbf16> to vector<10x256x64xf32>
    %reduce_sum3A_198 = arith.constant dense<0.000000e+00> : vector<10x256xf32>
    %reduce_sum3A_199 = vector.multi_reduction <add>, %convert_element_type3A_197, %reduce_sum3A_198 [2] : vector<10x256x64xf32> to vector<10x256xf32>
    %convert_element_type3A_200 = arith.truncf %reduce_sum3A_199 : vector<10x256xf32> to vector<10x256xbf16>
    %get3A_201 = arith.constant 0 : index
    %get3A_202 = arith.constant 0 : index
    %get3A_203 = vector.load %arg19[%get3A_201, %get3A_202] : memref<512x10xbf16, #tpu.memory_space<vmem>>, vector<512x10xbf16>
    %dot_general3A_204 = arith.constant dense<0.000000e+00> : vector<512x256xf32>
    %dot_general3A_205 = tpu.matmul %get3A_203, %convert_element_type3A_200, %dot_general3A_204 {dimension_numbers = #tpu.dot_dimension_numbers<[1], [0], [0], [1], [0, 0, 1, 1], [], []>, transpose_lhs_hint = false} : vector<512x10xbf16>, vector<10x256xbf16>, vector<512x256xf32> -> vector<512x256xf32>
    %add3A_206 = arith.addf %add3A_190, %dot_general3A_205 : vector<512x256xf32>
    %slice3A_207 = vector.extract_strided_slice %convert_element_type3A {offsets = [11, 0, 0], sizes = [1, 256, 64], strides = [1, 1, 1]} : vector<27x256x64xbf16> to vector<1x256x64xbf16>
    %squeeze3A_208 = vector.shape_cast %slice3A_207 : vector<1x256x64xbf16> to vector<256x64xbf16>
    %slice3A_209 = vector.extract_strided_slice %convert_element_type3A {offsets = [0, 0, 0], sizes = [11, 256, 64], strides = [1, 1, 1]} : vector<27x256x64xbf16> to vector<11x256x64xbf16>
    %broadcast_in_dim3A_210 = vector.shape_cast %squeeze3A_208 : vector<256x64xbf16> to vector<1x256x64xbf16>
    %mul3A_211 = vector.broadcast %broadcast_in_dim3A_210 : vector<1x256x64xbf16> to vector<11x256x64xbf16>
    %mul3A_212 = arith.mulf %mul3A_211, %slice3A_209 : vector<11x256x64xbf16>
    %convert_element_type3A_213 = arith.extf %mul3A_212 : vector<11x256x64xbf16> to vector<11x256x64xf32>
    %reduce_sum3A_214 = arith.constant dense<0.000000e+00> : vector<11x256xf32>
    %reduce_sum3A_215 = vector.multi_reduction <add>, %convert_element_type3A_213, %reduce_sum3A_214 [2] : vector<11x256x64xf32> to vector<11x256xf32>
    %convert_element_type3A_216 = arith.truncf %reduce_sum3A_215 : vector<11x256xf32> to vector<11x256xbf16>
    %get3A_217 = arith.constant 0 : index
    %get3A_218 = arith.constant 0 : index
    %get3A_219 = vector.load %arg20[%get3A_217, %get3A_218] : memref<512x11xbf16, #tpu.memory_space<vmem>>, vector<512x11xbf16>
    %dot_general3A_220 = arith.constant dense<0.000000e+00> : vector<512x256xf32>
    %dot_general3A_221 = tpu.matmul %get3A_219, %convert_element_type3A_216, %dot_general3A_220 {dimension_numbers = #tpu.dot_dimension_numbers<[1], [0], [0], [1], [0, 0, 1, 1], [], []>, transpose_lhs_hint = false} : vector<512x11xbf16>, vector<11x256xbf16>, vector<512x256xf32> -> vector<512x256xf32>
    %add3A_222 = arith.addf %add3A_206, %dot_general3A_221 : vector<512x256xf32>
    %slice3A_223 = vector.extract_strided_slice %convert_element_type3A {offsets = [12, 0, 0], sizes = [1, 256, 64], strides = [1, 1, 1]} : vector<27x256x64xbf16> to vector<1x256x64xbf16>
    %squeeze3A_224 = vector.shape_cast %slice3A_223 : vector<1x256x64xbf16> to vector<256x64xbf16>
    %slice3A_225 = vector.extract_strided_slice %convert_element_type3A {offsets = [0, 0, 0], sizes = [12, 256, 64], strides = [1, 1, 1]} : vector<27x256x64xbf16> to vector<12x256x64xbf16>
    %broadcast_in_dim3A_226 = vector.shape_cast %squeeze3A_224 : vector<256x64xbf16> to vector<1x256x64xbf16>
    %mul3A_227 = vector.broadcast %broadcast_in_dim3A_226 : vector<1x256x64xbf16> to vector<12x256x64xbf16>
    %mul3A_228 = arith.mulf %mul3A_227, %slice3A_225 : vector<12x256x64xbf16>
    %convert_element_type3A_229 = arith.extf %mul3A_228 : vector<12x256x64xbf16> to vector<12x256x64xf32>
    %reduce_sum3A_230 = arith.constant dense<0.000000e+00> : vector<12x256xf32>
    %reduce_sum3A_231 = vector.multi_reduction <add>, %convert_element_type3A_229, %reduce_sum3A_230 [2] : vector<12x256x64xf32> to vector<12x256xf32>
    %convert_element_type3A_232 = arith.truncf %reduce_sum3A_231 : vector<12x256xf32> to vector<12x256xbf16>
    %get3A_233 = arith.constant 0 : index
    %get3A_234 = arith.constant 0 : index
    %get3A_235 = vector.load %arg21[%get3A_233, %get3A_234] : memref<512x12xbf16, #tpu.memory_space<vmem>>, vector<512x12xbf16>
    %dot_general3A_236 = arith.constant dense<0.000000e+00> : vector<512x256xf32>
    %dot_general3A_237 = tpu.matmul %get3A_235, %convert_element_type3A_232, %dot_general3A_236 {dimension_numbers = #tpu.dot_dimension_numbers<[1], [0], [0], [1], [0, 0, 1, 1], [], []>, transpose_lhs_hint = false} : vector<512x12xbf16>, vector<12x256xbf16>, vector<512x256xf32> -> vector<512x256xf32>
    %add3A_238 = arith.addf %add3A_222, %dot_general3A_237 : vector<512x256xf32>
    %slice3A_239 = vector.extract_strided_slice %convert_element_type3A {offsets = [13, 0, 0], sizes = [1, 256, 64], strides = [1, 1, 1]} : vector<27x256x64xbf16> to vector<1x256x64xbf16>
    %squeeze3A_240 = vector.shape_cast %slice3A_239 : vector<1x256x64xbf16> to vector<256x64xbf16>
    %slice3A_241 = vector.extract_strided_slice %convert_element_type3A {offsets = [0, 0, 0], sizes = [13, 256, 64], strides = [1, 1, 1]} : vector<27x256x64xbf16> to vector<13x256x64xbf16>
    %broadcast_in_dim3A_242 = vector.shape_cast %squeeze3A_240 : vector<256x64xbf16> to vector<1x256x64xbf16>
    %mul3A_243 = vector.broadcast %broadcast_in_dim3A_242 : vector<1x256x64xbf16> to vector<13x256x64xbf16>
    %mul3A_244 = arith.mulf %mul3A_243, %slice3A_241 : vector<13x256x64xbf16>
    %convert_element_type3A_245 = arith.extf %mul3A_244 : vector<13x256x64xbf16> to vector<13x256x64xf32>
    %reduce_sum3A_246 = arith.constant dense<0.000000e+00> : vector<13x256xf32>
    %reduce_sum3A_247 = vector.multi_reduction <add>, %convert_element_type3A_245, %reduce_sum3A_246 [2] : vector<13x256x64xf32> to vector<13x256xf32>
    %convert_element_type3A_248 = arith.truncf %reduce_sum3A_247 : vector<13x256xf32> to vector<13x256xbf16>
    %get3A_249 = arith.constant 0 : index
    %get3A_250 = arith.constant 0 : index
    %get3A_251 = vector.load %arg22[%get3A_249, %get3A_250] : memref<512x13xbf16, #tpu.memory_space<vmem>>, vector<512x13xbf16>
    %dot_general3A_252 = arith.constant dense<0.000000e+00> : vector<512x256xf32>
    %dot_general3A_253 = tpu.matmul %get3A_251, %convert_element_type3A_248, %dot_general3A_252 {dimension_numbers = #tpu.dot_dimension_numbers<[1], [0], [0], [1], [0, 0, 1, 1], [], []>, transpose_lhs_hint = false} : vector<512x13xbf16>, vector<13x256xbf16>, vector<512x256xf32> -> vector<512x256xf32>
    %add3A_254 = arith.addf %add3A_238, %dot_general3A_253 : vector<512x256xf32>
    %slice3A_255 = vector.extract_strided_slice %convert_element_type3A {offsets = [14, 0, 0], sizes = [1, 256, 64], strides = [1, 1, 1]} : vector<27x256x64xbf16> to vector<1x256x64xbf16>
    %squeeze3A_256 = vector.shape_cast %slice3A_255 : vector<1x256x64xbf16> to vector<256x64xbf16>
    %slice3A_257 = vector.extract_strided_slice %convert_element_type3A {offsets = [0, 0, 0], sizes = [14, 256, 64], strides = [1, 1, 1]} : vector<27x256x64xbf16> to vector<14x256x64xbf16>
    %broadcast_in_dim3A_258 = vector.shape_cast %squeeze3A_256 : vector<256x64xbf16> to vector<1x256x64xbf16>
    %mul3A_259 = vector.broadcast %broadcast_in_dim3A_258 : vector<1x256x64xbf16> to vector<14x256x64xbf16>
    %mul3A_260 = arith.mulf %mul3A_259, %slice3A_257 : vector<14x256x64xbf16>
    %convert_element_type3A_261 = arith.extf %mul3A_260 : vector<14x256x64xbf16> to vector<14x256x64xf32>
    %reduce_sum3A_262 = arith.constant dense<0.000000e+00> : vector<14x256xf32>
    %reduce_sum3A_263 = vector.multi_reduction <add>, %convert_element_type3A_261, %reduce_sum3A_262 [2] : vector<14x256x64xf32> to vector<14x256xf32>
    %convert_element_type3A_264 = arith.truncf %reduce_sum3A_263 : vector<14x256xf32> to vector<14x256xbf16>
    %get3A_265 = arith.constant 0 : index
    %get3A_266 = arith.constant 0 : index
    %get3A_267 = vector.load %arg23[%get3A_265, %get3A_266] : memref<512x14xbf16, #tpu.memory_space<vmem>>, vector<512x14xbf16>
    %dot_general3A_268 = arith.constant dense<0.000000e+00> : vector<512x256xf32>
    %dot_general3A_269 = tpu.matmul %get3A_267, %convert_element_type3A_264, %dot_general3A_268 {dimension_numbers = #tpu.dot_dimension_numbers<[1], [0], [0], [1], [0, 0, 1, 1], [], []>, transpose_lhs_hint = false} : vector<512x14xbf16>, vector<14x256xbf16>, vector<512x256xf32> -> vector<512x256xf32>
    %add3A_270 = arith.addf %add3A_254, %dot_general3A_269 : vector<512x256xf32>
    %slice3A_271 = vector.extract_strided_slice %convert_element_type3A {offsets = [15, 0, 0], sizes = [1, 256, 64], strides = [1, 1, 1]} : vector<27x256x64xbf16> to vector<1x256x64xbf16>
    %squeeze3A_272 = vector.shape_cast %slice3A_271 : vector<1x256x64xbf16> to vector<256x64xbf16>
    %slice3A_273 = vector.extract_strided_slice %convert_element_type3A {offsets = [0, 0, 0], sizes = [15, 256, 64], strides = [1, 1, 1]} : vector<27x256x64xbf16> to vector<15x256x64xbf16>
    %broadcast_in_dim3A_274 = vector.shape_cast %squeeze3A_272 : vector<256x64xbf16> to vector<1x256x64xbf16>
    %mul3A_275 = vector.broadcast %broadcast_in_dim3A_274 : vector<1x256x64xbf16> to vector<15x256x64xbf16>
    %mul3A_276 = arith.mulf %mul3A_275, %slice3A_273 : vector<15x256x64xbf16>
    %convert_element_type3A_277 = arith.extf %mul3A_276 : vector<15x256x64xbf16> to vector<15x256x64xf32>
    %reduce_sum3A_278 = arith.constant dense<0.000000e+00> : vector<15x256xf32>
    %reduce_sum3A_279 = vector.multi_reduction <add>, %convert_element_type3A_277, %reduce_sum3A_278 [2] : vector<15x256x64xf32> to vector<15x256xf32>
    %convert_element_type3A_280 = arith.truncf %reduce_sum3A_279 : vector<15x256xf32> to vector<15x256xbf16>
    %get3A_281 = arith.constant 0 : index
    %get3A_282 = arith.constant 0 : index
    %get3A_283 = vector.load %arg24[%get3A_281, %get3A_282] : memref<512x15xbf16, #tpu.memory_space<vmem>>, vector<512x15xbf16>
    %dot_general3A_284 = arith.constant dense<0.000000e+00> : vector<512x256xf32>
    %dot_general3A_285 = tpu.matmul %get3A_283, %convert_element_type3A_280, %dot_general3A_284 {dimension_numbers = #tpu.dot_dimension_numbers<[1], [0], [0], [1], [0, 0, 1, 1], [], []>, transpose_lhs_hint = false} : vector<512x15xbf16>, vector<15x256xbf16>, vector<512x256xf32> -> vector<512x256xf32>
    %add3A_286 = arith.addf %add3A_270, %dot_general3A_285 : vector<512x256xf32>
    %slice3A_287 = vector.extract_strided_slice %convert_element_type3A {offsets = [16, 0, 0], sizes = [1, 256, 64], strides = [1, 1, 1]} : vector<27x256x64xbf16> to vector<1x256x64xbf16>
    %squeeze3A_288 = vector.shape_cast %slice3A_287 : vector<1x256x64xbf16> to vector<256x64xbf16>
    %slice3A_289 = vector.extract_strided_slice %convert_element_type3A {offsets = [0, 0, 0], sizes = [16, 256, 64], strides = [1, 1, 1]} : vector<27x256x64xbf16> to vector<16x256x64xbf16>
    %broadcast_in_dim3A_290 = vector.shape_cast %squeeze3A_288 : vector<256x64xbf16> to vector<1x256x64xbf16>
    %mul3A_291 = vector.broadcast %broadcast_in_dim3A_290 : vector<1x256x64xbf16> to vector<16x256x64xbf16>
    %mul3A_292 = arith.mulf %mul3A_291, %slice3A_289 : vector<16x256x64xbf16>
    %convert_element_type3A_293 = arith.extf %mul3A_292 : vector<16x256x64xbf16> to vector<16x256x64xf32>
    %reduce_sum3A_294 = arith.constant dense<0.000000e+00> : vector<16x256xf32>
    %reduce_sum3A_295 = vector.multi_reduction <add>, %convert_element_type3A_293, %reduce_sum3A_294 [2] : vector<16x256x64xf32> to vector<16x256xf32>
    %convert_element_type3A_296 = arith.truncf %reduce_sum3A_295 : vector<16x256xf32> to vector<16x256xbf16>
    %get3A_297 = arith.constant 0 : index
    %get3A_298 = arith.constant 0 : index
    %get3A_299 = vector.load %arg25[%get3A_297, %get3A_298] : memref<512x16xbf16, #tpu.memory_space<vmem>>, vector<512x16xbf16>
    %dot_general3A_300 = arith.constant dense<0.000000e+00> : vector<512x256xf32>
    %dot_general3A_301 = tpu.matmul %get3A_299, %convert_element_type3A_296, %dot_general3A_300 {dimension_numbers = #tpu.dot_dimension_numbers<[1], [0], [0], [1], [0, 0, 1, 1], [], []>, transpose_lhs_hint = false} : vector<512x16xbf16>, vector<16x256xbf16>, vector<512x256xf32> -> vector<512x256xf32>
    %add3A_302 = arith.addf %add3A_286, %dot_general3A_301 : vector<512x256xf32>
    %slice3A_303 = vector.extract_strided_slice %convert_element_type3A {offsets = [17, 0, 0], sizes = [1, 256, 64], strides = [1, 1, 1]} : vector<27x256x64xbf16> to vector<1x256x64xbf16>
    %squeeze3A_304 = vector.shape_cast %slice3A_303 : vector<1x256x64xbf16> to vector<256x64xbf16>
    %slice3A_305 = vector.extract_strided_slice %convert_element_type3A {offsets = [0, 0, 0], sizes = [17, 256, 64], strides = [1, 1, 1]} : vector<27x256x64xbf16> to vector<17x256x64xbf16>
    %broadcast_in_dim3A_306 = vector.shape_cast %squeeze3A_304 : vector<256x64xbf16> to vector<1x256x64xbf16>
    %mul3A_307 = vector.broadcast %broadcast_in_dim3A_306 : vector<1x256x64xbf16> to vector<17x256x64xbf16>
    %mul3A_308 = arith.mulf %mul3A_307, %slice3A_305 : vector<17x256x64xbf16>
    %convert_element_type3A_309 = arith.extf %mul3A_308 : vector<17x256x64xbf16> to vector<17x256x64xf32>
    %reduce_sum3A_310 = arith.constant dense<0.000000e+00> : vector<17x256xf32>
    %reduce_sum3A_311 = vector.multi_reduction <add>, %convert_element_type3A_309, %reduce_sum3A_310 [2] : vector<17x256x64xf32> to vector<17x256xf32>
    %convert_element_type3A_312 = arith.truncf %reduce_sum3A_311 : vector<17x256xf32> to vector<17x256xbf16>
    %get3A_313 = arith.constant 0 : index
    %get3A_314 = arith.constant 0 : index
    %get3A_315 = vector.load %arg26[%get3A_313, %get3A_314] : memref<512x17xbf16, #tpu.memory_space<vmem>>, vector<512x17xbf16>
    %dot_general3A_316 = arith.constant dense<0.000000e+00> : vector<512x256xf32>
    %dot_general3A_317 = tpu.matmul %get3A_315, %convert_element_type3A_312, %dot_general3A_316 {dimension_numbers = #tpu.dot_dimension_numbers<[1], [0], [0], [1], [0, 0, 1, 1], [], []>, transpose_lhs_hint = false} : vector<512x17xbf16>, vector<17x256xbf16>, vector<512x256xf32> -> vector<512x256xf32>
    %add3A_318 = arith.addf %add3A_302, %dot_general3A_317 : vector<512x256xf32>
    %slice3A_319 = vector.extract_strided_slice %convert_element_type3A {offsets = [18, 0, 0], sizes = [1, 256, 64], strides = [1, 1, 1]} : vector<27x256x64xbf16> to vector<1x256x64xbf16>
    %squeeze3A_320 = vector.shape_cast %slice3A_319 : vector<1x256x64xbf16> to vector<256x64xbf16>
    %slice3A_321 = vector.extract_strided_slice %convert_element_type3A {offsets = [0, 0, 0], sizes = [18, 256, 64], strides = [1, 1, 1]} : vector<27x256x64xbf16> to vector<18x256x64xbf16>
    %broadcast_in_dim3A_322 = vector.shape_cast %squeeze3A_320 : vector<256x64xbf16> to vector<1x256x64xbf16>
    %mul3A_323 = vector.broadcast %broadcast_in_dim3A_322 : vector<1x256x64xbf16> to vector<18x256x64xbf16>
    %mul3A_324 = arith.mulf %mul3A_323, %slice3A_321 : vector<18x256x64xbf16>
    %convert_element_type3A_325 = arith.extf %mul3A_324 : vector<18x256x64xbf16> to vector<18x256x64xf32>
    %reduce_sum3A_326 = arith.constant dense<0.000000e+00> : vector<18x256xf32>
    %reduce_sum3A_327 = vector.multi_reduction <add>, %convert_element_type3A_325, %reduce_sum3A_326 [2] : vector<18x256x64xf32> to vector<18x256xf32>
    %convert_element_type3A_328 = arith.truncf %reduce_sum3A_327 : vector<18x256xf32> to vector<18x256xbf16>
    %get3A_329 = arith.constant 0 : index
    %get3A_330 = arith.constant 0 : index
    %get3A_331 = vector.load %arg27[%get3A_329, %get3A_330] : memref<512x18xbf16, #tpu.memory_space<vmem>>, vector<512x18xbf16>
    %dot_general3A_332 = arith.constant dense<0.000000e+00> : vector<512x256xf32>
    %dot_general3A_333 = tpu.matmul %get3A_331, %convert_element_type3A_328, %dot_general3A_332 {dimension_numbers = #tpu.dot_dimension_numbers<[1], [0], [0], [1], [0, 0, 1, 1], [], []>, transpose_lhs_hint = false} : vector<512x18xbf16>, vector<18x256xbf16>, vector<512x256xf32> -> vector<512x256xf32>
    %add3A_334 = arith.addf %add3A_318, %dot_general3A_333 : vector<512x256xf32>
    %slice3A_335 = vector.extract_strided_slice %convert_element_type3A {offsets = [19, 0, 0], sizes = [1, 256, 64], strides = [1, 1, 1]} : vector<27x256x64xbf16> to vector<1x256x64xbf16>
    %squeeze3A_336 = vector.shape_cast %slice3A_335 : vector<1x256x64xbf16> to vector<256x64xbf16>
    %slice3A_337 = vector.extract_strided_slice %convert_element_type3A {offsets = [0, 0, 0], sizes = [19, 256, 64], strides = [1, 1, 1]} : vector<27x256x64xbf16> to vector<19x256x64xbf16>
    %broadcast_in_dim3A_338 = vector.shape_cast %squeeze3A_336 : vector<256x64xbf16> to vector<1x256x64xbf16>
    %mul3A_339 = vector.broadcast %broadcast_in_dim3A_338 : vector<1x256x64xbf16> to vector<19x256x64xbf16>
    %mul3A_340 = arith.mulf %mul3A_339, %slice3A_337 : vector<19x256x64xbf16>
    %convert_element_type3A_341 = arith.extf %mul3A_340 : vector<19x256x64xbf16> to vector<19x256x64xf32>
    %reduce_sum3A_342 = arith.constant dense<0.000000e+00> : vector<19x256xf32>
    %reduce_sum3A_343 = vector.multi_reduction <add>, %convert_element_type3A_341, %reduce_sum3A_342 [2] : vector<19x256x64xf32> to vector<19x256xf32>
    %convert_element_type3A_344 = arith.truncf %reduce_sum3A_343 : vector<19x256xf32> to vector<19x256xbf16>
    %get3A_345 = arith.constant 0 : index
    %get3A_346 = arith.constant 0 : index
    %get3A_347 = vector.load %arg28[%get3A_345, %get3A_346] : memref<512x19xbf16, #tpu.memory_space<vmem>>, vector<512x19xbf16>
    %dot_general3A_348 = arith.constant dense<0.000000e+00> : vector<512x256xf32>
    %dot_general3A_349 = tpu.matmul %get3A_347, %convert_element_type3A_344, %dot_general3A_348 {dimension_numbers = #tpu.dot_dimension_numbers<[1], [0], [0], [1], [0, 0, 1, 1], [], []>, transpose_lhs_hint = false} : vector<512x19xbf16>, vector<19x256xbf16>, vector<512x256xf32> -> vector<512x256xf32>
    %add3A_350 = arith.addf %add3A_334, %dot_general3A_349 : vector<512x256xf32>
    %slice3A_351 = vector.extract_strided_slice %convert_element_type3A {offsets = [20, 0, 0], sizes = [1, 256, 64], strides = [1, 1, 1]} : vector<27x256x64xbf16> to vector<1x256x64xbf16>
    %squeeze3A_352 = vector.shape_cast %slice3A_351 : vector<1x256x64xbf16> to vector<256x64xbf16>
    %slice3A_353 = vector.extract_strided_slice %convert_element_type3A {offsets = [0, 0, 0], sizes = [20, 256, 64], strides = [1, 1, 1]} : vector<27x256x64xbf16> to vector<20x256x64xbf16>
    %broadcast_in_dim3A_354 = vector.shape_cast %squeeze3A_352 : vector<256x64xbf16> to vector<1x256x64xbf16>
    %mul3A_355 = vector.broadcast %broadcast_in_dim3A_354 : vector<1x256x64xbf16> to vector<20x256x64xbf16>
    %mul3A_356 = arith.mulf %mul3A_355, %slice3A_353 : vector<20x256x64xbf16>
    %convert_element_type3A_357 = arith.extf %mul3A_356 : vector<20x256x64xbf16> to vector<20x256x64xf32>
    %reduce_sum3A_358 = arith.constant dense<0.000000e+00> : vector<20x256xf32>
    %reduce_sum3A_359 = vector.multi_reduction <add>, %convert_element_type3A_357, %reduce_sum3A_358 [2] : vector<20x256x64xf32> to vector<20x256xf32>
    %convert_element_type3A_360 = arith.truncf %reduce_sum3A_359 : vector<20x256xf32> to vector<20x256xbf16>
    %get3A_361 = arith.constant 0 : index
    %get3A_362 = arith.constant 0 : index
    %get3A_363 = vector.load %arg29[%get3A_361, %get3A_362] : memref<512x20xbf16, #tpu.memory_space<vmem>>, vector<512x20xbf16>
    %dot_general3A_364 = arith.constant dense<0.000000e+00> : vector<512x256xf32>
    %dot_general3A_365 = tpu.matmul %get3A_363, %convert_element_type3A_360, %dot_general3A_364 {dimension_numbers = #tpu.dot_dimension_numbers<[1], [0], [0], [1], [0, 0, 1, 1], [], []>, transpose_lhs_hint = false} : vector<512x20xbf16>, vector<20x256xbf16>, vector<512x256xf32> -> vector<512x256xf32>
    %add3A_366 = arith.addf %add3A_350, %dot_general3A_365 : vector<512x256xf32>
    %slice3A_367 = vector.extract_strided_slice %convert_element_type3A {offsets = [21, 0, 0], sizes = [1, 256, 64], strides = [1, 1, 1]} : vector<27x256x64xbf16> to vector<1x256x64xbf16>
    %squeeze3A_368 = vector.shape_cast %slice3A_367 : vector<1x256x64xbf16> to vector<256x64xbf16>
    %slice3A_369 = vector.extract_strided_slice %convert_element_type3A {offsets = [0, 0, 0], sizes = [21, 256, 64], strides = [1, 1, 1]} : vector<27x256x64xbf16> to vector<21x256x64xbf16>
    %broadcast_in_dim3A_370 = vector.shape_cast %squeeze3A_368 : vector<256x64xbf16> to vector<1x256x64xbf16>
    %mul3A_371 = vector.broadcast %broadcast_in_dim3A_370 : vector<1x256x64xbf16> to vector<21x256x64xbf16>
    %mul3A_372 = arith.mulf %mul3A_371, %slice3A_369 : vector<21x256x64xbf16>
    %convert_element_type3A_373 = arith.extf %mul3A_372 : vector<21x256x64xbf16> to vector<21x256x64xf32>
    %reduce_sum3A_374 = arith.constant dense<0.000000e+00> : vector<21x256xf32>
    %reduce_sum3A_375 = vector.multi_reduction <add>, %convert_element_type3A_373, %reduce_sum3A_374 [2] : vector<21x256x64xf32> to vector<21x256xf32>
    %convert_element_type3A_376 = arith.truncf %reduce_sum3A_375 : vector<21x256xf32> to vector<21x256xbf16>
    %get3A_377 = arith.constant 0 : index
    %get3A_378 = arith.constant 0 : index
    %get3A_379 = vector.load %arg30[%get3A_377, %get3A_378] : memref<512x21xbf16, #tpu.memory_space<vmem>>, vector<512x21xbf16>
    %dot_general3A_380 = arith.constant dense<0.000000e+00> : vector<512x256xf32>
    %dot_general3A_381 = tpu.matmul %get3A_379, %convert_element_type3A_376, %dot_general3A_380 {dimension_numbers = #tpu.dot_dimension_numbers<[1], [0], [0], [1], [0, 0, 1, 1], [], []>, transpose_lhs_hint = false} : vector<512x21xbf16>, vector<21x256xbf16>, vector<512x256xf32> -> vector<512x256xf32>
    %add3A_382 = arith.addf %add3A_366, %dot_general3A_381 : vector<512x256xf32>
    %slice3A_383 = vector.extract_strided_slice %convert_element_type3A {offsets = [22, 0, 0], sizes = [1, 256, 64], strides = [1, 1, 1]} : vector<27x256x64xbf16> to vector<1x256x64xbf16>
    %squeeze3A_384 = vector.shape_cast %slice3A_383 : vector<1x256x64xbf16> to vector<256x64xbf16>
    %slice3A_385 = vector.extract_strided_slice %convert_element_type3A {offsets = [0, 0, 0], sizes = [22, 256, 64], strides = [1, 1, 1]} : vector<27x256x64xbf16> to vector<22x256x64xbf16>
    %broadcast_in_dim3A_386 = vector.shape_cast %squeeze3A_384 : vector<256x64xbf16> to vector<1x256x64xbf16>
    %mul3A_387 = vector.broadcast %broadcast_in_dim3A_386 : vector<1x256x64xbf16> to vector<22x256x64xbf16>
    %mul3A_388 = arith.mulf %mul3A_387, %slice3A_385 : vector<22x256x64xbf16>
    %convert_element_type3A_389 = arith.extf %mul3A_388 : vector<22x256x64xbf16> to vector<22x256x64xf32>
    %reduce_sum3A_390 = arith.constant dense<0.000000e+00> : vector<22x256xf32>
    %reduce_sum3A_391 = vector.multi_reduction <add>, %convert_element_type3A_389, %reduce_sum3A_390 [2] : vector<22x256x64xf32> to vector<22x256xf32>
    %convert_element_type3A_392 = arith.truncf %reduce_sum3A_391 : vector<22x256xf32> to vector<22x256xbf16>
    %get3A_393 = arith.constant 0 : index
    %get3A_394 = arith.constant 0 : index
    %get3A_395 = vector.load %arg31[%get3A_393, %get3A_394] : memref<512x22xbf16, #tpu.memory_space<vmem>>, vector<512x22xbf16>
    %dot_general3A_396 = arith.constant dense<0.000000e+00> : vector<512x256xf32>
    %dot_general3A_397 = tpu.matmul %get3A_395, %convert_element_type3A_392, %dot_general3A_396 {dimension_numbers = #tpu.dot_dimension_numbers<[1], [0], [0], [1], [0, 0, 1, 1], [], []>, transpose_lhs_hint = false} : vector<512x22xbf16>, vector<22x256xbf16>, vector<512x256xf32> -> vector<512x256xf32>
    %add3A_398 = arith.addf %add3A_382, %dot_general3A_397 : vector<512x256xf32>
    %slice3A_399 = vector.extract_strided_slice %convert_element_type3A {offsets = [23, 0, 0], sizes = [1, 256, 64], strides = [1, 1, 1]} : vector<27x256x64xbf16> to vector<1x256x64xbf16>
    %squeeze3A_400 = vector.shape_cast %slice3A_399 : vector<1x256x64xbf16> to vector<256x64xbf16>
    %slice3A_401 = vector.extract_strided_slice %convert_element_type3A {offsets = [0, 0, 0], sizes = [23, 256, 64], strides = [1, 1, 1]} : vector<27x256x64xbf16> to vector<23x256x64xbf16>
    %broadcast_in_dim3A_402 = vector.shape_cast %squeeze3A_400 : vector<256x64xbf16> to vector<1x256x64xbf16>
    %mul3A_403 = vector.broadcast %broadcast_in_dim3A_402 : vector<1x256x64xbf16> to vector<23x256x64xbf16>
    %mul3A_404 = arith.mulf %mul3A_403, %slice3A_401 : vector<23x256x64xbf16>
    %convert_element_type3A_405 = arith.extf %mul3A_404 : vector<23x256x64xbf16> to vector<23x256x64xf32>
    %reduce_sum3A_406 = arith.constant dense<0.000000e+00> : vector<23x256xf32>
    %reduce_sum3A_407 = vector.multi_reduction <add>, %convert_element_type3A_405, %reduce_sum3A_406 [2] : vector<23x256x64xf32> to vector<23x256xf32>
    %convert_element_type3A_408 = arith.truncf %reduce_sum3A_407 : vector<23x256xf32> to vector<23x256xbf16>
    %get3A_409 = arith.constant 0 : index
    %get3A_410 = arith.constant 0 : index
    %get3A_411 = vector.load %arg32[%get3A_409, %get3A_410] : memref<512x23xbf16, #tpu.memory_space<vmem>>, vector<512x23xbf16>
    %dot_general3A_412 = arith.constant dense<0.000000e+00> : vector<512x256xf32>
    %dot_general3A_413 = tpu.matmul %get3A_411, %convert_element_type3A_408, %dot_general3A_412 {dimension_numbers = #tpu.dot_dimension_numbers<[1], [0], [0], [1], [0, 0, 1, 1], [], []>, transpose_lhs_hint = false} : vector<512x23xbf16>, vector<23x256xbf16>, vector<512x256xf32> -> vector<512x256xf32>
    %add3A_414 = arith.addf %add3A_398, %dot_general3A_413 : vector<512x256xf32>
    %slice3A_415 = vector.extract_strided_slice %convert_element_type3A {offsets = [24, 0, 0], sizes = [1, 256, 64], strides = [1, 1, 1]} : vector<27x256x64xbf16> to vector<1x256x64xbf16>
    %squeeze3A_416 = vector.shape_cast %slice3A_415 : vector<1x256x64xbf16> to vector<256x64xbf16>
    %slice3A_417 = vector.extract_strided_slice %convert_element_type3A {offsets = [0, 0, 0], sizes = [24, 256, 64], strides = [1, 1, 1]} : vector<27x256x64xbf16> to vector<24x256x64xbf16>
    %broadcast_in_dim3A_418 = vector.shape_cast %squeeze3A_416 : vector<256x64xbf16> to vector<1x256x64xbf16>
    %mul3A_419 = vector.broadcast %broadcast_in_dim3A_418 : vector<1x256x64xbf16> to vector<24x256x64xbf16>
    %mul3A_420 = arith.mulf %mul3A_419, %slice3A_417 : vector<24x256x64xbf16>
    %convert_element_type3A_421 = arith.extf %mul3A_420 : vector<24x256x64xbf16> to vector<24x256x64xf32>
    %reduce_sum3A_422 = arith.constant dense<0.000000e+00> : vector<24x256xf32>
    %reduce_sum3A_423 = vector.multi_reduction <add>, %convert_element_type3A_421, %reduce_sum3A_422 [2] : vector<24x256x64xf32> to vector<24x256xf32>
    %convert_element_type3A_424 = arith.truncf %reduce_sum3A_423 : vector<24x256xf32> to vector<24x256xbf16>
    %get3A_425 = arith.constant 0 : index
    %get3A_426 = arith.constant 0 : index
    %get3A_427 = vector.load %arg33[%get3A_425, %get3A_426] : memref<512x24xbf16, #tpu.memory_space<vmem>>, vector<512x24xbf16>
    %dot_general3A_428 = arith.constant dense<0.000000e+00> : vector<512x256xf32>
    %dot_general3A_429 = tpu.matmul %get3A_427, %convert_element_type3A_424, %dot_general3A_428 {dimension_numbers = #tpu.dot_dimension_numbers<[1], [0], [0], [1], [0, 0, 1, 1], [], []>, transpose_lhs_hint = false} : vector<512x24xbf16>, vector<24x256xbf16>, vector<512x256xf32> -> vector<512x256xf32>
    %add3A_430 = arith.addf %add3A_414, %dot_general3A_429 : vector<512x256xf32>
    %slice3A_431 = vector.extract_strided_slice %convert_element_type3A {offsets = [25, 0, 0], sizes = [1, 256, 64], strides = [1, 1, 1]} : vector<27x256x64xbf16> to vector<1x256x64xbf16>
    %squeeze3A_432 = vector.shape_cast %slice3A_431 : vector<1x256x64xbf16> to vector<256x64xbf16>
    %slice3A_433 = vector.extract_strided_slice %convert_element_type3A {offsets = [0, 0, 0], sizes = [25, 256, 64], strides = [1, 1, 1]} : vector<27x256x64xbf16> to vector<25x256x64xbf16>
    %broadcast_in_dim3A_434 = vector.shape_cast %squeeze3A_432 : vector<256x64xbf16> to vector<1x256x64xbf16>
    %mul3A_435 = vector.broadcast %broadcast_in_dim3A_434 : vector<1x256x64xbf16> to vector<25x256x64xbf16>
    %mul3A_436 = arith.mulf %mul3A_435, %slice3A_433 : vector<25x256x64xbf16>
    %convert_element_type3A_437 = arith.extf %mul3A_436 : vector<25x256x64xbf16> to vector<25x256x64xf32>
    %reduce_sum3A_438 = arith.constant dense<0.000000e+00> : vector<25x256xf32>
    %reduce_sum3A_439 = vector.multi_reduction <add>, %convert_element_type3A_437, %reduce_sum3A_438 [2] : vector<25x256x64xf32> to vector<25x256xf32>
    %convert_element_type3A_440 = arith.truncf %reduce_sum3A_439 : vector<25x256xf32> to vector<25x256xbf16>
    %get3A_441 = arith.constant 0 : index
    %get3A_442 = arith.constant 0 : index
    %get3A_443 = vector.load %arg34[%get3A_441, %get3A_442] : memref<512x25xbf16, #tpu.memory_space<vmem>>, vector<512x25xbf16>
    %dot_general3A_444 = arith.constant dense<0.000000e+00> : vector<512x256xf32>
    %dot_general3A_445 = tpu.matmul %get3A_443, %convert_element_type3A_440, %dot_general3A_444 {dimension_numbers = #tpu.dot_dimension_numbers<[1], [0], [0], [1], [0, 0, 1, 1], [], []>, transpose_lhs_hint = false} : vector<512x25xbf16>, vector<25x256xbf16>, vector<512x256xf32> -> vector<512x256xf32>
    %add3A_446 = arith.addf %add3A_430, %dot_general3A_445 : vector<512x256xf32>
    %slice3A_447 = vector.extract_strided_slice %convert_element_type3A {offsets = [26, 0, 0], sizes = [1, 256, 64], strides = [1, 1, 1]} : vector<27x256x64xbf16> to vector<1x256x64xbf16>
    %squeeze3A_448 = vector.shape_cast %slice3A_447 : vector<1x256x64xbf16> to vector<256x64xbf16>
    %slice3A_449 = vector.extract_strided_slice %convert_element_type3A {offsets = [0, 0, 0], sizes = [26, 256, 64], strides = [1, 1, 1]} : vector<27x256x64xbf16> to vector<26x256x64xbf16>
    %broadcast_in_dim3A_450 = vector.shape_cast %squeeze3A_448 : vector<256x64xbf16> to vector<1x256x64xbf16>
    %mul3A_451 = vector.broadcast %broadcast_in_dim3A_450 : vector<1x256x64xbf16> to vector<26x256x64xbf16>
    %mul3A_452 = arith.mulf %mul3A_451, %slice3A_449 : vector<26x256x64xbf16>
    %convert_element_type3A_453 = arith.extf %mul3A_452 : vector<26x256x64xbf16> to vector<26x256x64xf32>
    %reduce_sum3A_454 = arith.constant dense<0.000000e+00> : vector<26x256xf32>
    %reduce_sum3A_455 = vector.multi_reduction <add>, %convert_element_type3A_453, %reduce_sum3A_454 [2] : vector<26x256x64xf32> to vector<26x256xf32>
    %convert_element_type3A_456 = arith.truncf %reduce_sum3A_455 : vector<26x256xf32> to vector<26x256xbf16>
    %get3A_457 = arith.constant 0 : index
    %get3A_458 = arith.constant 0 : index
    %get3A_459 = vector.load %arg35[%get3A_457, %get3A_458] : memref<512x26xbf16, #tpu.memory_space<vmem>>, vector<512x26xbf16>
    %dot_general3A_460 = arith.constant dense<0.000000e+00> : vector<512x256xf32>
    %dot_general3A_461 = tpu.matmul %get3A_459, %convert_element_type3A_456, %dot_general3A_460 {dimension_numbers = #tpu.dot_dimension_numbers<[1], [0], [0], [1], [0, 0, 1, 1], [], []>, transpose_lhs_hint = false} : vector<512x26xbf16>, vector<26x256xbf16>, vector<512x256xf32> -> vector<512x256xf32>
    %add3A_462 = arith.addf %add3A_446, %dot_general3A_461 : vector<512x256xf32>
    %max3A_463 = arith.constant 0.000000e+00 : f32
    %max3A_464 = vector.broadcast %max3A_463 : f32 to vector<512x256xf32>
    %max3A_465 = arith.maximumf %add3A_462, %max3A_464 : vector<512x256xf32>
    %get3A_466 = arith.constant 0 : index
    %get3A_467 = arith.constant 0 : index
    %get3A_468 = vector.load %arg37[%get3A_466, %get3A_467] : memref<256x512xf32, #tpu.memory_space<vmem>>, vector<256x512xf32>
    %dot_general3A_469 = arith.constant dense<0.000000e+00> : vector<256x256xf32>
    %dot_general3A_470 = tpu.matmul %get3A_468, %max3A_465, %dot_general3A_469 {dimension_numbers = #tpu.dot_dimension_numbers<[1], [0], [0], [1], [0, 0, 1, 1], [], []>, transpose_lhs_hint = false} : vector<256x512xf32>, vector<512x256xf32>, vector<256x256xf32> -> vector<256x256xf32>
    %get3A_471 = arith.constant 0 : index
    %get3A_472 = arith.constant 0 : index
    %get3A_473 = vector.load %arg38[%get3A_471, %get3A_472] : memref<256x1xf32, #tpu.memory_space<vmem>>, vector<256x1xf32>
    %add3A_474 = vector.broadcast %get3A_473 : vector<256x1xf32> to vector<256x256xf32>
    %add3A_475 = arith.addf %dot_general3A_470, %add3A_474 : vector<256x256xf32>
    %max3A_476 = arith.constant 0.000000e+00 : f32
    %max3A_477 = vector.broadcast %max3A_476 : f32 to vector<256x256xf32>
    %max3A_478 = arith.maximumf %add3A_475, %max3A_477 : vector<256x256xf32>
    %get3A_479 = arith.constant 0 : index
    %get3A_480 = arith.constant 0 : index
    %get3A_481 = vector.load %arg39[%get3A_479, %get3A_480] : memref<1x256xf32, #tpu.memory_space<vmem>>, vector<1x256xf32>
    %dot_general3A_482 = arith.constant dense<0.000000e+00> : vector<1x256xf32>
    %dot_general3A_483 = tpu.matmul %get3A_481, %max3A_478, %dot_general3A_482 {dimension_numbers = #tpu.dot_dimension_numbers<[1], [0], [0], [1], [0, 0, 1, 1], [], []>, transpose_lhs_hint = false} : vector<1x256xf32>, vector<256x256xf32>, vector<1x256xf32> -> vector<1x256xf32>
    %get3A_484 = arith.constant 0 : index
    %get3A_485 = arith.constant 0 : index
    %get3A_486 = vector.load %arg40[%get3A_484, %get3A_485] : memref<1x1xf32, #tpu.memory_space<vmem>>, vector<1x1xf32>
    %add3A_487 = vector.broadcast %get3A_486 : vector<1x1xf32> to vector<1x256xf32>
    %add3A_488 = arith.addf %dot_general3A_483, %add3A_487 : vector<1x256xf32>
    %neg3A = arith.constant 0.000000e+00 : f32
    %neg3A_489 = vector.broadcast %neg3A : f32 to vector<1x256xf32>
    %neg3A_490 = arith.subf %neg3A_489, %add3A_488 : vector<1x256xf32>
    %exp3A = math.exp %neg3A_490 : vector<1x256xf32>
    %add3A_491 = arith.constant 1.000000e+00 : f32
    %add3A_492 = vector.broadcast %add3A_491 : f32 to vector<1x256xf32>
    %add3A_493 = arith.addf %add3A_492, %exp3A : vector<1x256xf32>
    %div3A = arith.constant 1.000000e+00 : f32
    %div3A_494 = vector.broadcast %div3A : f32 to vector<1x256xf32>
    %div3A_495 = arith.divf %div3A_494, %add3A_493 : vector<1x256xf32>
    %swap3A = arith.constant 0 : index
    %swap3A_496 = arith.constant 0 : index
    %swap3A_497 = vector.load %arg41[%swap3A, %swap3A_496] : memref<1x256xf32, #tpu.memory_space<vmem>>, vector<1x256xf32>
    tpu.vector_store %arg41[%swap3A, %swap3A_496], %div3A_495 {strides = array<i32>} : memref<1x256xf32, #tpu.memory_space<vmem>>, vector<1x256xf32>,
    return
  }
  func.func @transform_0(%arg0: i32) -> (i32, i32) {
    %c0_i32 = arith.constant 0 : i32
    %c0_i32_0 = arith.constant 0 : i32
    return %arg0, %c0_i32 : i32, i32
  }
  func.func @transform_1(%arg0: i32) -> (i32, i32, i32) {
    %c0_i32 = arith.constant 0 : i32
    %c0_i32_0 = arith.constant 0 : i32
    %c0_i32_1 = arith.constant 0 : i32
    return %c0_i32, %arg0, %c0_i32_0 : i32, i32, i32
  }
  func.func @transform_2(%arg0: i32) -> (i32, i32) {
    %c0_i32 = arith.constant 0 : i32
    %c0_i32_0 = arith.constant 0 : i32
    %c0_i32_1 = arith.constant 0 : i32
    return %c0_i32, %c0_i32_0 : i32, i32
  }
  func.func @transform_3(%arg0: i32) -> (i32, i32) {
    %c0_i32 = arith.constant 0 : i32
    %c0_i32_0 = arith.constant 0 : i32
    %c0_i32_1 = arith.constant 0 : i32
    return %c0_i32, %c0_i32_0 : i32, i32
  }
  func.func @transform_4(%arg0: i32) -> (i32, i32) {
    %c0_i32 = arith.constant 0 : i32
    %c0_i32_0 = arith.constant 0 : i32
    %c0_i32_1 = arith.constant 0 : i32
    return %c0_i32, %c0_i32_0 : i32, i32
  }
  func.func @transform_5(%arg0: i32) -> (i32, i32) {
    %c0_i32 = arith.constant 0 : i32
    %c0_i32_0 = arith.constant 0 : i32
    %c0_i32_1 = arith.constant 0 : i32
    return %c0_i32, %c0_i32_0 : i32, i32
  }
  func.func @transform_6(%arg0: i32) -> (i32, i32) {
    %c0_i32 = arith.constant 0 : i32
    %c0_i32_0 = arith.constant 0 : i32
    %c0_i32_1 = arith.constant 0 : i32
    return %c0_i32, %c0_i32_0 : i32, i32
  }
  func.func @transform_7(%arg0: i32) -> (i32, i32) {
    %c0_i32 = arith.constant 0 : i32
    %c0_i32_0 = arith.constant 0 : i32
    %c0_i32_1 = arith.constant 0 : i32
    return %c0_i32, %c0_i32_0 : i32, i32
  }
  func.func @transform_8(%arg0: i32) -> (i32, i32) {
    %c0_i32 = arith.constant 0 : i32
    %c0_i32_0 = arith.constant 0 : i32
    %c0_i32_1 = arith.constant 0 : i32
    return %c0_i32, %c0_i32_0 : i32, i32
  }
  func.func @transform_9(%arg0: i32) -> (i32, i32) {
    %c0_i32 = arith.constant 0 : i32
    %c0_i32_0 = arith.constant 0 : i32
    %c0_i32_1 = arith.constant 0 : i32
    return %c0_i32, %c0_i32_0 : i32, i32
  }
  func.func @transform_10(%arg0: i32) -> (i32, i32) {
    %c0_i32 = arith.constant 0 : i32
    %c0_i32_0 = arith.constant 0 : i32
    %c0_i32_1 = arith.constant 0 : i32
    return %c0_i32, %c0_i32_0 : i32, i32
  }
  func.func @transform_11(%arg0: i32) -> (i32, i32) {
    %c0_i32 = arith.constant 0 : i32
    %c0_i32_0 = arith.constant 0 : i32
    %c0_i32_1 = arith.constant 0 : i32
    return %c0_i32, %c0_i32_0 : i32, i32
  }
  func.func @transform_12(%arg0: i32) -> (i32, i32) {
    %c0_i32 = arith.constant 0 : i32
    %c0_i32_0 = arith.constant 0 : i32
    %c0_i32_1 = arith.constant 0 : i32
    return %c0_i32, %c0_i32_0 : i32, i32
  }
  func.func @transform_13(%arg0: i32) -> (i32, i32) {
    %c0_i32 = arith.constant 0 : i32
    %c0_i32_0 = arith.constant 0 : i32
    %c0_i32_1 = arith.constant 0 : i32
    return %c0_i32, %c0_i32_0 : i32, i32
  }
  func.func @transform_14(%arg0: i32) -> (i32, i32) {
    %c0_i32 = arith.constant 0 : i32
    %c0_i32_0 = arith.constant 0 : i32
    %c0_i32_1 = arith.constant 0 : i32
    return %c0_i32, %c0_i32_0 : i32, i32
  }
  func.func @transform_15(%arg0: i32) -> (i32, i32) {
    %c0_i32 = arith.constant 0 : i32
    %c0_i32_0 = arith.constant 0 : i32
    %c0_i32_1 = arith.constant 0 : i32
    return %c0_i32, %c0_i32_0 : i32, i32
  }
  func.func @transform_16(%arg0: i32) -> (i32, i32) {
    %c0_i32 = arith.constant 0 : i32
    %c0_i32_0 = arith.constant 0 : i32
    %c0_i32_1 = arith.constant 0 : i32
    return %c0_i32, %c0_i32_0 : i32, i32
  }
  func.func @transform_17(%arg0: i32) -> (i32, i32) {
    %c0_i32 = arith.constant 0 : i32
    %c0_i32_0 = arith.constant 0 : i32
    %c0_i32_1 = arith.constant 0 : i32
    return %c0_i32, %c0_i32_0 : i32, i32
  }
  func.func @transform_18(%arg0: i32) -> (i32, i32) {
    %c0_i32 = arith.constant 0 : i32
    %c0_i32_0 = arith.constant 0 : i32
    %c0_i32_1 = arith.constant 0 : i32
    return %c0_i32, %c0_i32_0 : i32, i32
  }
  func.func @transform_19(%arg0: i32) -> (i32, i32) {
    %c0_i32 = arith.constant 0 : i32
    %c0_i32_0 = arith.constant 0 : i32
    %c0_i32_1 = arith.constant 0 : i32
    return %c0_i32, %c0_i32_0 : i32, i32
  }
  func.func @transform_20(%arg0: i32) -> (i32, i32) {
    %c0_i32 = arith.constant 0 : i32
    %c0_i32_0 = arith.constant 0 : i32
    %c0_i32_1 = arith.constant 0 : i32
    return %c0_i32, %c0_i32_0 : i32, i32
  }
  func.func @transform_21(%arg0: i32) -> (i32, i32) {
    %c0_i32 = arith.constant 0 : i32
    %c0_i32_0 = arith.constant 0 : i32
    %c0_i32_1 = arith.constant 0 : i32
    return %c0_i32, %c0_i32_0 : i32, i32
  }
  func.func @transform_22(%arg0: i32) -> (i32, i32) {
    %c0_i32 = arith.constant 0 : i32
    %c0_i32_0 = arith.constant 0 : i32
    %c0_i32_1 = arith.constant 0 : i32
    return %c0_i32, %c0_i32_0 : i32, i32
  }
  func.func @transform_23(%arg0: i32) -> (i32, i32) {
    %c0_i32 = arith.constant 0 : i32
    %c0_i32_0 = arith.constant 0 : i32
    %c0_i32_1 = arith.constant 0 : i32
    return %c0_i32, %c0_i32_0 : i32, i32
  }
  func.func @transform_24(%arg0: i32) -> (i32, i32) {
    %c0_i32 = arith.constant 0 : i32
    %c0_i32_0 = arith.constant 0 : i32
    %c0_i32_1 = arith.constant 0 : i32
    return %c0_i32, %c0_i32_0 : i32, i32
  }
  func.func @transform_25(%arg0: i32) -> (i32, i32) {
    %c0_i32 = arith.constant 0 : i32
    %c0_i32_0 = arith.constant 0 : i32
    %c0_i32_1 = arith.constant 0 : i32
    return %c0_i32, %c0_i32_0 : i32, i32
  }
  func.func @transform_26(%arg0: i32) -> (i32, i32) {
    %c0_i32 = arith.constant 0 : i32
    %c0_i32_0 = arith.constant 0 : i32
    %c0_i32_1 = arith.constant 0 : i32
    return %c0_i32, %c0_i32_0 : i32, i32
  }
  func.func @transform_27(%arg0: i32) -> (i32, i32) {
    %c0_i32 = arith.constant 0 : i32
    %c0_i32_0 = arith.constant 0 : i32
    %c0_i32_1 = arith.constant 0 : i32
    return %c0_i32, %c0_i32_0 : i32, i32
  }
  func.func @transform_28(%arg0: i32) -> (i32, i32) {
    %c0_i32 = arith.constant 0 : i32
    %c0_i32_0 = arith.constant 0 : i32
    %c0_i32_1 = arith.constant 0 : i32
    return %c0_i32, %c0_i32_0 : i32, i32
  }
  func.func @transform_29(%arg0: i32) -> (i32, i32) {
    %c0_i32 = arith.constant 0 : i32
    %c0_i32_0 = arith.constant 0 : i32
    %c0_i32_1 = arith.constant 0 : i32
    return %c0_i32, %c0_i32_0 : i32, i32
  }
  func.func @transform_30(%arg0: i32) -> (i32, i32) {
    %c0_i32 = arith.constant 0 : i32
    %c0_i32_0 = arith.constant 0 : i32
    %c0_i32_1 = arith.constant 0 : i32
    return %c0_i32, %c0_i32_0 : i32, i32
  }
  func.func @transform_31(%arg0: i32) -> (i32, i32) {
    %c0_i32 = arith.constant 0 : i32
    %c0_i32_0 = arith.constant 0 : i32
    %c0_i32_1 = arith.constant 0 : i32
    return %c0_i32, %c0_i32_0 : i32, i32
  }
  func.func @transform_32(%arg0: i32) -> (i32, i32) {
    %c0_i32 = arith.constant 0 : i32
    %c0_i32_0 = arith.constant 0 : i32
    %c0_i32_1 = arith.constant 0 : i32
    return %c0_i32, %c0_i32_0 : i32, i32
  }
  func.func @transform_33(%arg0: i32) -> (i32, i32) {
    %c0_i32 = arith.constant 0 : i32
    %c0_i32_0 = arith.constant 0 : i32
    %c0_i32_1 = arith.constant 0 : i32
    return %c0_i32, %c0_i32_0 : i32, i32
  }
  func.func @transform_34(%arg0: i32) -> (i32, i32) {
    %c0_i32 = arith.constant 0 : i32
    %c0_i32_0 = arith.constant 0 : i32
    %c0_i32_1 = arith.constant 0 : i32
    return %c0_i32, %c0_i32_0 : i32, i32
  }
  func.func @transform_35(%arg0: i32) -> (i32, i32) {
    %c0_i32 = arith.constant 0 : i32
    %c0_i32_0 = arith.constant 0 : i32
    %c0_i32_1 = arith.constant 0 : i32
    return %c0_i32, %c0_i32_0 : i32, i32
  }
  func.func @transform_36(%arg0: i32) -> (i32, i32) {
    %c0_i32 = arith.constant 0 : i32
    %c0_i32_0 = arith.constant 0 : i32
    %c0_i32_1 = arith.constant 0 : i32
    return %c0_i32, %c0_i32_0 : i32, i32
  }
  func.func @transform_37(%arg0: i32) -> (i32, i32) {
    %c0_i32 = arith.constant 0 : i32
    %c0_i32_0 = arith.constant 0 : i32
    %c0_i32_1 = arith.constant 0 : i32
    return %c0_i32, %c0_i32_0 : i32, i32
  }
  func.func @transform_38(%arg0: i32) -> (i32, i32) {
    %c0_i32 = arith.constant 0 : i32
    %c0_i32_0 = arith.constant 0 : i32
    %c0_i32_1 = arith.constant 0 : i32
    return %c0_i32, %c0_i32_0 : i32, i32
  }
  func.func @transform_39(%arg0: i32) -> (i32, i32) {
    %c0_i32 = arith.constant 0 : i32
    %c0_i32_0 = arith.constant 0 : i32
    %c0_i32_1 = arith.constant 0 : i32
    return %c0_i32, %c0_i32_0 : i32, i32
  }
  func.func @transform_40(%arg0: i32) -> (i32, i32) {
    %c0_i32 = arith.constant 0 : i32
    %c0_i32_0 = arith.constant 0 : i32
    return %c0_i32, %arg0 : i32, i32
  }
}

</mosaic_0001>

<sc_bundles>
// kernel: kernel.4.cloned.1.call-start
scs
__scs_entry_jumppad:
0x0: {  	(pc) =	sbr.rel $0x88, $3  }
0x1: {  	(tag) =	ssettag $0x0;
	lr =	simm.s32 $0x1  }
0x2: {  	[smem:$0x3F92] =	sst lr;
	_ =	strace $0xD0000000  }
0x3: {  	_ = 	snop  }
0x4: {  	_ = 	snop  }
0x5: {  	_ = 	snop  }
0x6: {  	_ = 	snop  }
0x7: {  	_ = 	snop  }
__scs_overlays_trampoline_lowered:
0x8: {  	[smem:$0x3FA1] =	sst s0  }
0x9: {  	[smem:$0x3FA2] =	sst s1  }
0xa: {  	[smem:$0x3FA3] =	sst s2  }
0xb: {  	[smem:$0x3FA4] =	sst s3  }
0xc: {  	[smem:$0x3FA5] =	sst s4  }
0xd: {  	[smem:$0x3FA6] =	sst s5  }
0xe: {  	[smem:$0x3FA7] =	sst s6  }
0xf: {  	[smem:$0x3FA8] =	sst s7  }
0x10: {  	[smem:$0x3FA9] =	sst s8  }
0x11: {  	[smem:$0x3FAA] =	sst s9;
	s0 =	simm.s32 @!p0 $0x0  }
0x12: {  	s1 =	sld [smem:$0x3F90];
	s0 =	simm.s32 @p0 $0x1  }
0x13: {  	[smem:$0x3FAB] =	sst s0;
	s0 =	simm.s32 @!p1 $0x0  }
0x14: {  	s2 =	sld [smem:$0x3F8F];
	s0 =	simm.s32 @p1 $0x1  }
0x15: {  	[smem:$0x3FAC] =	sst s0;
	s0 =	simm.s32 @!p2 $0x0  }
0x16: {  	s3 =	sld [smem:$0x3FDB];
	s0 =	simm.s32 @p2 $0x1  }
0x17: {  	s4 =	simm.s32 $0x1BF5;
	[smem:$0x3FAE] =	sst s0  }
0x18: {  	s0 =	sld [smem:$0x3F91];
	_ =	swait.ge [sflag:s4], $0x0  }
0x19: {  	s7 =	sld [smem:$0x3F92]  }
0x1a: {  	s8 =	sadd.s32 $0xFFFFE003, lr  }
0x1b: {  	s9 =	sadd.s32 $0xFFFFFEF7, lr;
	s5 =	simm.s32 $0xFFFFFFFF;
	p2 =	slt.u32 s8, $0xFFFFF086  }
0x1c: {  	p1 =	slt.u32 s9, $0xF7A;
	s5 =	simm.s32 @!p2 $0x0  }
0x1d: {  	s5 =	simm.s32 @p1 $0x1;
	p0 =	seq.s32 s7, s2  }
0x1e: {  	s7 =	smul.u32 @!p0 $0xF7A, s2;
	p2 =	seq.s32 @!p0 s5, $0x0  }
0x1f: {  	s9 =	smul.u32 $0xF7A, s1;
	s8 =	simm.s32 @!p0 $0x1BF5;
	p2 =	por !p2, p0  }
0x20: {  	[sflag:s8] =	ssyncset.s32 @!p0 $0xFFFFF086;
	s6 =	sadd.s32 @!p0 s3, s7;
	s7 =	simm.s32 @!p0 $0x108  }
0x21: {  	s3 =	sadd.s32 s3, s9;
	s6 =	sadd.s32 @!p0 $0x88, s6;
	s7 =	simm.s32 @p2 $0x1082  }
0x22: {  	[simem:s7], [sflag:s8] =	dma.local @!p0 [hbm:s6], $0xF7A  }
0x23: {  	s9 =	sor.u32 $0xD0000000, s2;
	s6 =	simm.s32 $0x108;
	_ =	swait.ge @!p0 [sflag:s8], $0x0  }
0x24: {  	s3 =	sadd.s32 $0x88, s3;
	s6 =	simm.s32 @!p1 $0x1082;
	[sflag:s4] =	ssyncset.s32 $0xFFFFF086  }
0x25: {  	[simem:s6], [sflag:s4] =	dma.local [hbm:s3], $0xF7A  }
0x26: {  	[smem:$0x3F92] =	sst s1;
	(tag) =	ssettag s2;
	_ =	strace s9  }
0x27: {  	s1 =	sld [smem:$0x3FA2]  }
0x28: {  	s2 =	sld [smem:$0x3FA3]  }
0x29: {  	s4 =	sld [smem:$0x3FA5]  }
0x2a: {  	p0 =	seq.s32 s5, $0x0;
	s5 =	sld [smem:$0x3FA6]  }
0x2b: {  	s6 =	sld [smem:$0x3FA7]  }
0x2c: {  	s7 =	sld [smem:$0x3FA8]  }
0x2d: {  	s3 =	simm.s32 $0x108;
	s8 =	sld [smem:$0x3FA9]  }
0x2e: {  	s3 =	simm.s32 @!p0 $0x1082;
	s9 =	sld [smem:$0x3FAA]  }
0x2f: {  	lr =	sadd.s32 s0, s3;
	s0 =	sld [smem:$0x3FA1]  }
0x30: {  	s3 =	sld [smem:$0x3FA4]  }
0x31: {  	[smem:$0x3FAD] =	sst s10  }
0x32: {  	s10 =	sld [smem:$0x3FAB];
	_ =	sdelay $0x3  }
0x33: {  	p0 =	seq.s32 s10, $0x1;
	s10 =	sld [smem:$0x3FAD];
	_ =	sdelay $0x3  }
0x34: {  	[smem:$0x3FAD] =	sst s10  }
0x35: {  	s10 =	sld [smem:$0x3FAC];
	_ =	sdelay $0x3  }
0x36: {  	p1 =	seq.s32 s10, $0x1;
	s10 =	sld [smem:$0x3FAD];
	_ =	sdelay $0x3  }
0x37: {  	[smem:$0x3FAD] =	sst s10  }
0x38: {  	s10 =	sld [smem:$0x3FAE]  }
0x39: {  	_ = 	snop;
	(pc) =	sbr.ind lr, $3  }
0x3a: {  	_ = 	snop  }
0x3b: {  	_ = 	snop  }
0x3c: {  	p2 =	seq.s32 s10, $0x1;
	s10 =	sld [smem:$0x3FAD]  }
0x3d: {  	_ =	shalt  }
0x3e: {  	_ =	shalt  }
0x3f: {  	_ =	shalt  }
0x40: {  	_ =	shalt  }
0x41: {  	_ =	shalt  }
0x42: {  	_ =	shalt  }
0x43: {  	_ =	shalt  }
0x44: {  	_ =	shalt  }
0x45: {  	_ =	shalt  }
0x46: {  	_ =	shalt  }
0x47: {  	_ =	shalt  }
0x48: {  	_ =	shalt  }
0x49: {  	_ =	shalt  }
0x4a: {  	_ =	shalt  }
0x4b: {  	_ =	shalt  }
0x4c: {  	_ =	shalt  }
0x4d: {  	_ =	shalt  }
0x4e: {  	_ =	shalt  }
0x4f: {  	_ =	shalt  }
0x50: {  	_ =	shalt  }
0x51: {  	_ =	shalt  }
0x52: {  	_ =	shalt  }
0x53: {  	_ =	shalt  }
0x54: {  	_ =	shalt  }
0x55: {  	_ =	shalt  }
0x56: {  	_ =	shalt  }
0x57: {  	_ =	shalt  }
0x58: {  	_ =	shalt  }
0x59: {  	_ =	shalt  }
0x5a: {  	_ =	shalt  }
0x5b: {  	_ =	shalt  }
0x5c: {  	_ =	shalt  }
0x5d: {  	_ =	shalt  }
0x5e: {  	_ =	shalt  }
0x5f: {  	_ =	shalt  }
0x60: {  	_ =	shalt  }
0x61: {  	_ =	shalt  }
0x62: {  	_ =	shalt  }
0x63: {  	_ =	shalt  }
0x64: {  	_ =	shalt  }
0x65: {  	_ =	shalt  }
0x66: {  	_ =	shalt  }
0x67: {  	_ =	shalt  }
0x68: {  	_ =	shalt  }
0x69: {  	_ =	shalt  }
0x6a: {  	_ =	shalt  }
0x6b: {  	_ =	shalt  }
0x6c: {  	_ =	shalt  }
0x6d: {  	_ =	shalt  }
0x6e: {  	_ =	shalt  }
0x6f: {  	_ =	shalt  }
0x70: {  	_ =	shalt  }
0x71: {  	_ =	shalt  }
0x72: {  	_ =	shalt  }
0x73: {  	_ =	shalt  }
0x74: {  	_ =	shalt  }
0x75: {  	_ =	shalt  }
0x76: {  	_ =	shalt  }
0x77: {  	_ =	shalt  }
0x78: {  	_ =	shalt  }
0x79: {  	_ =	shalt  }
0x7a: {  	_ =	shalt  }
0x7b: {  	_ =	shalt  }
0x7c: {  	_ =	shalt  }
0x7d: {  	_ =	shalt  }
0x7e: {  	_ =	shalt  }
0x7f: {  	_ =	shalt  }
0x80: {  	_ =	shalt  }
0x81: {  	_ =	shalt  }
0x82: {  	_ =	shalt  }
0x83: {  	_ =	shalt  }
0x84: {  	_ =	shalt  }
0x85: {  	_ =	shalt  }
0x86: {  	_ =	shalt  }
0x87: {  	_ =	shalt  }
.Lfunc_end0:
.L_simem_size_0:
called_computation_lowered:
.L_overlay_start_0:
0x88: {  	s2 =	sld [smem:$0x3FD9]  }
0x89: {  	s3 =	sld [smem:$0x3FFE];
	_ =	sdelay $0x1  }
0x8a: {  	s1 =	srdreg.scid  }
0x8b: {  	s0 =	sand.u32 $0x1, s1  }
0x8c: {  	s16 =	sshll.u32 s0, $0xA;
	s2 =	sadd.s32 s3, s2  }
0x8d: {  	s2 =	sadd.s32 s2, s16  }
0x8e: {  	[smem:$0x3FB9] =	sst s2  }
0x8f: {  	_ = 	snop  }
0x90: {  	(tm) =	ssettm $0x1  }
0x91: {  	s17 =	sld [smem:$0x3FFB];
	_ =	sdelay $0x3  }
0x92: {  	_ =	strace s17  }
0x93: {  	s2 =	sld [smem:$0x3FFC];
	_ =	sdelay $0x3  }
0x94: {  	_ =	strace s2  }
0x95: {  	s2 =	sld [smem:$0x3FFD];
	_ =	sdelay $0x3  }
0x96: {  	_ =	strace s2  }
0x97: {  	_ =	strace $0x8FFFFFFF  }
0x98: {  	s18 =	sld [smem:$0x3FDB];
	_ =	sdelay $0x1  }
0x99: {  	s19 =	simm.s32 $_scs_section_size  }
0x9a: {  	s4 =	simm.s32 $_size__tile_overlayer_lowered;
	s5 =	simm.s32 $_tile_overlayer_lowered  }
0x9b: {  	s22 =	simm.s32 $0x1BFF;
	s21 =	sshll.u32 s5, $0x1;
	s2 =	sadd.s32 s19, s18  }
0x9c: {  	s6 =	simm.s32 $0x0;
	s20 =	sshll.u32 s4, $0x1;
	s4 =	sadd.s32 s21, s2  }
0x9d: {  	[timem:s6], [sflag:s22] =	dma.local [hbm:s4], s20  }
0x9e: {  	_ =	swait.ge [sflag:s22], s20  }
0x9f: {  	s3 =	ssub.s32 $0x0, s20;
	[sflag:s22] =	ssyncset.done $0x0  }
0xa0: {  	[sflag:s22] =	ssyncadd.s32 s3;
	_ =	sdelay $0x1  }
0xa1: {  	s23 =	simm.s32 $0x1B8B  }
0xa2: {  	_ =	swait.ge [sflag:s23], $0x1  }
0xa3: {  	[sflag:s23] =	ssyncset.done $0x0  }
0xa4: {  	s25 =	simm.s32 $0x1B8E;
	s24 =	sld [smem:$0x3FFE];
	[sflag:s23] =	ssyncadd.s32 $0xFFFFFFFF  }
0xa5: {  	s26 =	simm.s32 $execute0_lowered;
	[smem:$0x3FD2] =	sst s25  }
0xa6: {  	s4 =	sshll.u32 s26, $0x1;
	_ =	strace $0x80000046;
	[dreg:$0x1] =	wrdreg $0xFFFFFFFF  }
0xa7: {  	s28 =	simm.s32 $_size_execute0_lowered;
	s2 =	sadd.s32 s2, s4;
	[dreg:$0x0] =	wrdreg $0x0  }
0xa8: {  	s4 =	sshll.u32 s28, $0x1;
	[dreg:$0x2] =	wrdreg s2  }
0xa9: {  	[dreg:$0x3] =	wrdreg s4  }
0xaa: {  	[dreg:$0x4] =	wrdreg $0xC0  }
0xab: {  	_ =	task [dreg:s6], $0x5FFFF  }
0xac: {  	[dreg:$0x1] =	wrdreg $0xFFFFFFFF  }
0xad: {  	[dreg:$0x0] =	wrdreg $0x60  }
0xae: {  	[dreg:$0x2] =	wrdreg s24  }
0xaf: {  	[dreg:$0x3] =	wrdreg $0x9  }
0xb0: {  	_ =	task.clear_ibuf [dreg:s6], $0x4FFFF;
	_ =	strace $0x90000046  }
0xb1: {  	s29 =	simm.s32 $0x9;
	_ =	strace $0x80000048  }
0xb2: {  	_ =	swait.ge [sflag:s29], $0x1  }
0xb3: {  	[sflag:s29] =	ssyncadd.s32 $0xFFFFFFFF  }
0xb4: {  	_ =	strace $0x90000048  }
0xb5: {  	_ =	sfence  }
0xb6: {  	s30 =	sld [smem:$0x0];
	_ =	sdelay $0x2  }
0xb7: {  	s31 =	sshll.u32 s1, $0xD;
	s1 =	sshrl.u32 s1, $0x2  }
0xb8: {  	s3 =	sand.u32 $0x4000, s31;
	s1 =	sadd.s32 s1, s30  }
0xb9: {  	s0 =	sor.u32 s3, s0;
	s1 =	sshll.u32 s1, $0x11  }
0xba: {  	s0 =	sor.u32 s1, s0  }
0xbb: {  	s0 =	sadd.s32 $0x8F2B, s0  }
0xbc: {  	[sflag:s0] =	ssyncadd.remote.s32 $0x1  }
0xbd: {  	_ =	sfence.sel $0xFFFF  }
0xbe: {  	[dreg:$0x0] =	wrdreg $0xFFFFFFFF;
	(pc) =	sbr.abs _section_cstart, $3  }
0xbf: {  	[dreg:$0x1] =	wrdreg $0xFFFFFFFF  }
0xc0: {  	_ =	task.clear_ibuf [dreg:s6], $0x2FFFF;
	_ =	strace $0x9FFFFFFF  }
0xc1: {  	(tm) =	ssettm $0x7FFFFFFF  }
tec
execute0_lowered:
.L_overlay_start_1:
0x0: {  	(tag) =	ssettag $0x1  }
0x1: {  	s1 =	srdreg.scid  }
0x2: {  	s0 =	stileid.u32;
	s6 =	rddreg [dreg:$0x0];
	s2 =	simm.s32 $0x0  }
0x3: {  	s10 =	simm.s32 $0x3;
	s11 =	simm.s32 $0xD00;
	s12 =	simm.s32 $0x2D00  }
0x4: {  	s13 =	simm.s32 $0x1;
	s14 =	simm.s32 $0x40;
	s15 =	simm.s32 $0x2  }
0x5: {  	s16 =	simm.s32 $0x0;
	s3 =	sand.u32 $0x1, s1;
	s1 =	rddreg [dreg:$0x1]  }
0x6: {  	s4 =	sshll.u32 s0, $0x8;
	[smem:$0x7FF] =	sst s2;
	s7 =	sshll.u32 s0, $0xF  }
0x7: {  	s8 =	sadd.s32 $0x5200, s6;
	s5 =	sshll.u32 s3, $0x7;
	_ =	strace $0x80000047  }
0x8: {  	s28 =	ssub.s32 $0x2, s3;
	s3 =	sshll.u32 s3, $0xE;
	s4 =	sor.u32 s5, s4  }
0x9: {  	s9 =	sshrl.u32 s28, $0x1;
	s7 =	sor.u32 s3, s7;
	s4 =	sshrl.u32 s4, $0x3  }
0xa: {  	s5 =	ssub.s32 s28, s9;
	s29 =	sor.u32 $0x80000, s7;
	s30 =	sshrl.u32 s7, $0x3  }
0xb: {  	s9 =	simm.s32 $0x1000;
	s4 =	sadd.s32 s4, s6;
	s31 =	sshrl.u32 s29, $0x3  }
0xc: {  	s6 =	sadd.s32 $0x2871700, s6;
	s3 =	sadd.s32 $0x1E00, s4;
	s4 =	smax.u32 s5, $0x1  }
0xd: {  	s5 =	sadd.s32 s30, s8;
	s7 =	sadd.s32 s31, s8;
	s8 =	simm.s32 $0x80  }
.LBB2_1:
0xe: {  	[tilespmem:s2], [sflag:$0x3] =	stream.strided.gather [hbm4b:s3+s8], $0xD00, s9, s8, $0x38;
	[tilespmem:$0x4D00] =	vst v63  }
0xf: {  	_ =	swait.ge [sflag:s10], $0xD00  }
0x10: {  	[sflag:s10] =	ssyncset.done $0x0  }
0x11: {  	s17 =	sadd.s32 $0xFFF3CB00, s6;
	[sflag:s10] =	ssyncadd.s32 $0xFFFFF300  }
0x12: {  	[tilespmem:s11], [sflag:$0x1] =	stream.indirect.gather [hbm4b:s17+s8], $0x40, s2, s8, $0xb8;
	[tilespmem:$0x4D00] =	vst v63  }
0x13: {  	s29 =	simm.s32 $0x80  }
0x14: {  	[tilespmem:s12], [sflag:$0x2] =	stream.indirect.gather [hbm4b:s6+s8], $0x40, s29, s8, $0xb8;
	[tilespmem:$0x4D00] =	vst v63  }
0x15: {  	_ =	swait.ge [sflag:s13], $0x2000  }
0x16: {  	[sflag:s13] =	ssyncset.done $0x0  }
0x17: {  	s30 =	sadd.s32 $0x0, s5;
	[sflag:s13] =	ssyncadd.s32 $0xFFFFE000  }
0x18: {  	[hbm4b:s30+s14] =	stream.strided.scatter [tilespmem:s11], [sflag:$0x3], $0x2000, s8, s14, $0x38;
	[tilespmem:$0x4D00] =	vst v63  }
0x19: {  	_ =	swait.ge [sflag:s10], $0x2000  }
0x1a: {  	[sflag:s10] =	ssyncset.done $0x0  }
0x1b: {  	[sflag:s10] =	ssyncadd.s32 $0xFFFFE000  }
0x1c: {  	_ =	swait.ge [sflag:s15], $0x2000  }
0x1d: {  	[sflag:s15] =	ssyncset.done $0x0  }
0x1e: {  	s31 =	sadd.s32 $0x0, s7;
	[sflag:s15] =	ssyncadd.s32 $0xFFFFE000  }
0x1f: {  	[hbm4b:s31+s14] =	stream.strided.scatter [tilespmem:s12], [sflag:$0x3], $0x2000, s8, s14, $0x38;
	[tilespmem:$0x4D00] =	vst v63  }
0x20: {  	s19 =	simm.s32 $0x40000;
	s18 =	sadd.s32 $0x186A00, s6;
	_ =	swait.ge [sflag:s10], $0x2000  }
0x21: {  	s20 =	simm.s32 $0x0;
	s17 =	simm.s32 $0x20000;
	[sflag:s10] =	ssyncset.done $0x0  }
.LBB2_2:
0x22: {  	s21 =	sadd.s32 $0xFFF3CB00, s18  }
0x23: {  	[sflag:s10] =	ssyncadd.s32 $0xFFFFE000;
	s20 =	sadd.s32 $0x100, s20;
	s22 =	smov.u32 s19  }
0x24: {  	[tilespmem:s11], [sflag:$0x1] =	stream.indirect.gather [hbm4b:s21+s8], $0x40, s20, s8, $0xb8;
	[tilespmem:$0x4D00] =	vst v63  }
0x25: {  	p0 =	sne.s32 s19, $0x180000;
	s19 =	sadd.s32 $0x20000, s19;
	s21 =	sadd.s32 $0x80, s20  }
0x26: {  	[tilespmem:s12], [sflag:$0x2] =	stream.indirect.gather [hbm4b:s18+s8], $0x40, s21, s8, $0xb8;
	[tilespmem:$0x4D00] =	vst v63  }
0x27: {  	_ =	swait.ge [sflag:s13], $0x2000  }
0x28: {  	[sflag:s13] =	ssyncset.done $0x0  }
0x29: {  	s21 =	sadd.s32 s17, s5;
	[sflag:s13] =	ssyncadd.s32 $0xFFFFE000  }
0x2a: {  	[hbm4b:s21+s14] =	stream.strided.scatter [tilespmem:s11], [sflag:$0x3], $0x2000, s8, s14, $0x38;
	[tilespmem:$0x4D00] =	vst v63  }
0x2b: {  	_ =	swait.ge [sflag:s10], $0x2000  }
0x2c: {  	[sflag:s10] =	ssyncset.done $0x0  }
0x2d: {  	[sflag:s10] =	ssyncadd.s32 $0xFFFFE000  }
0x2e: {  	_ =	swait.ge [sflag:s15], $0x2000  }
.Ltmp0:
0x2f: {  	[sflag:s15] =	ssyncset.done $0x0;
	(pc) =	sbr.rel @p0 .LBB2_2-.Ltmp0, $4  }
0x30: {  	s21 =	sadd.s32 s17, s7;
	s17 =	smov.u32 s22;
	[sflag:s15] =	ssyncadd.s32 $0xFFFFE000  }
0x31: {  	[hbm4b:s21+s14] =	stream.strided.scatter [tilespmem:s12], [sflag:$0x3], $0x2000, s8, s14, $0x38;
	[tilespmem:$0x4D00] =	vst v63  }
0x32: {  	_ =	swait.ge [sflag:s10], $0x2000  }
0x33: {  	s18 =	sadd.s32 $0x186A00, s18;
	[sflag:s10] =	ssyncset.done $0x0  }
0x34: {  	s19 =	sadd.s32 $0xFFF3CB00, s18;
	[sflag:s10] =	ssyncadd.s32 $0xFFFFE000;
	s20 =	sadd.s32 $0x100, s20  }
0x35: {  	[tilespmem:s11], [sflag:$0x1] =	stream.indirect.gather [hbm4b:s19+s8], $0x40, s20, s8, $0xb8;
	[tilespmem:$0x4D00] =	vst v63  }
0x36: {  	s29 =	sadd.s32 $0x80, s20  }
0x37: {  	[tilespmem:s12], [sflag:$0x2] =	stream.indirect.gather [hbm4b:s18+s8], $0x40, s29, s8, $0xb8;
	[tilespmem:$0x4D00] =	vst v63  }
0x38: {  	_ =	swait.ge [sflag:s13], $0x2000  }
0x39: {  	[sflag:s13] =	ssyncset.done $0x0  }
0x3a: {  	s30 =	sadd.s32 s17, s5;
	[sflag:s13] =	ssyncadd.s32 $0xFFFFE000  }
0x3b: {  	[hbm4b:s30+s14] =	stream.strided.scatter [tilespmem:s11], [sflag:$0x3], $0x2000, s8, s14, $0x38;
	[tilespmem:$0x4D00] =	vst v63  }
0x3c: {  	_ =	swait.ge [sflag:s10], $0x2000  }
0x3d: {  	[sflag:s10] =	ssyncset.done $0x0  }
0x3e: {  	[sflag:s10] =	ssyncadd.s32 $0xFFFFE000  }
0x3f: {  	s16 =	sadd.s32 $0x1, s16;
	_ =	swait.ge [sflag:s15], $0x2000  }
0x40: {  	p0 =	sne.s32 s16, s4;
	[sflag:s15] =	ssyncset.done $0x0  }
.Ltmp1:
0x41: {  	s31 =	sadd.s32 s17, s7;
	[sflag:s15] =	ssyncadd.s32 $0xFFFFE000;
	(pc) =	sbr.rel @p0 .LBB2_1-.Ltmp1, $4  }
0x42: {  	[hbm4b:s31+s14] =	stream.strided.scatter [tilespmem:s12], [sflag:$0x3], $0x2000, s8, s14, $0x38;
	[tilespmem:$0x4D00] =	vst v63  }
0x43: {  	_ =	swait.ge [sflag:s10], $0x2000  }
0x44: {  	[sflag:s10] =	ssyncset.done $0x0  }
0x45: {  	[sflag:s10] =	ssyncadd.s32 $0xFFFFE000  }
0x46: {  	_ =	sfence.sel $0x180000  }
0x47: {  	[bflag:$0x0] =	sbarrier.arrive $0xFFFF  }
0x48: {  	p0 =	sne.s32 s0, $0x0;
	_ =	strace $0x90000047  }
0x49: {  	s0 =	sadd.s32 @!p0 $0x100000, s1;
	[bflag:$0x2] =	sbarrier.arrive $0xFFFF  }
0x4a: {  	[sflag:s0] =	ssyncadd.tile.s32 @!p0 $0x1;
	_ =	shalt  }
.Lfunc_end2:
_tile_overlayer_lowered:
.L_overlay_start_2:
0x4b: {  	(tag) =	ssettag $0x2  }
0x4c: {  	s0 =	rddreg [dreg:$0x0];
	s2 =	stileid.u32  }
0x4d: {  	s1 =	rddreg [dreg:$0x1];
	p0 =	sne.s32 s2, $0x0  }
0x4e: {  	s3 =	rddreg [dreg:$0x2];
	[bflag:$0x3] =	sbarrier.arrive $0xFFFF;
	s2 =	simm.s32 @!p0 $0x1C03  }
0x4f: {  	[timem:s3], [sflag:s2] =	dma.local @!p0 [hbm:s0], s1  }
0x50: {  	s0 =	simm.s32 @!p0 $0x3  }
0x51: {  	_ =	swait.ge @!p0 [sflag:s0], s1  }
0x52: {  	s1 =	ssub.s32 @!p0 $0x0, s1;
	[sflag:s0] =	ssyncset.done @!p0 $0x0  }
0x53: {  	[sflag:s0] =	ssyncadd.s32 @!p0 s1  }
0x54: {  	[bflag:$0x3] =	sbarrier.arrive $0xFFFF  }
0x55: {  	_ =	shalt  }

</sc_bundles>
